<compile_context>
chip_gen: v7x
topology: tpu7x:2x2x1
jax: 0.10.2.dev20260603
libtpu: 0.0.44.dev20260713+nightly
codegen_flags: <defaults>
</compile_context>

<pallas_src>
import functools

import jax
import jax.numpy as jnp
from jax import lax
from jax.experimental import pallas as pl
from jax.experimental.pallas import tpu as pltpu
from jax.experimental.pallas import tpu_sc as plsc

B = 4096
NUM_NUMERIC = 13
NUM_FIELDS = 26
VOCAB = 100000
EMB = 32
EPS = 1e-5

NC = 2
NS = 16
NW = NC * NS
FH = NUM_FIELDS // 2
TOT_H = B * FH * EMB
PER_W = TOT_H // NW
NCHUNK = 2
CH = PER_W // NCHUNK


def _gather_body(flat_hbm, idx_hbm, out_hbm,
                 idx_a, idx_b, val_a, val_b, sem_a, sem_b):
    wid = lax.axis_index("s") * NC + lax.axis_index("c")
    idx_v = [idx_a, idx_b]
    val_v = [val_a, val_b]
    sem = [sem_a, sem_b]

    def stage(cb, buf):
        pltpu.sync_copy(idx_hbm.at[wid * NCHUNK + cb], idx_v[buf])
        return pltpu.async_copy(flat_hbm.at[idx_v[buf]], val_v[buf], sem[buf])

    copies = [None, None]
    copies[0] = stage(0, 0)
    for cb in range(1, NCHUNK):
        buf = cb % 2
        copies[buf] = stage(cb, buf)
        copies[1 - buf].wait()
        pltpu.sync_copy(val_v[1 - buf], out_hbm.at[wid * NCHUNK + cb - 1])
    copies[(NCHUNK - 1) % 2].wait()
    pltpu.sync_copy(val_v[(NCHUNK - 1) % 2],
                    out_hbm.at[wid * NCHUNK + NCHUNK - 1])


@functools.cache
def _make_gather():
    return pl.kernel(
        _gather_body,
        out_type=jax.ShapeDtypeStruct((NW * NCHUNK, CH), jnp.float32),
        mesh=plsc.VectorSubcoreMesh(core_axis_name="c", subcore_axis_name="s",
                                    num_cores=NC, num_subcores=NS),
        scratch_types=[
            pltpu.VMEM((CH,), jnp.int32),
            pltpu.VMEM((CH,), jnp.int32),
            pltpu.VMEM((CH,), jnp.float32),
            pltpu.VMEM((CH,), jnp.float32),
            pltpu.SemaphoreType.DMA,
            pltpu.SemaphoreType.DMA,
        ],
    )


def _bn_relu(h, g, be):
    h = jnp.maximum(h, 0.0)
    mean = jnp.mean(h, axis=0, keepdims=True)
    c = h - mean
    var = jnp.mean(c * c, axis=0, keepdims=True)
    return c * (g * lax.rsqrt(var + EPS)) + be


def _mlp_body(emb0_ref, emb1_ref, num_ref, w0e0_ref, w0e1_ref, w0n_ref,
              b0_ref, g0_ref, be0_ref,
              w1_ref, b1_ref, g1_ref, be1_ref,
              w2_ref, b2_ref, g2_ref, be2_ref,
              wh_ref, bh_ref, out_ref):
    dn = (((1,), (1,)), ((), ()))
    h = lax.dot_general(emb0_ref[...], w0e0_ref[...], dn,
                        preferred_element_type=jnp.float32)
    h = h + lax.dot_general(emb1_ref[...], w0e1_ref[...], dn,
                            preferred_element_type=jnp.float32)
    h = h + lax.dot_general(num_ref[...], w0n_ref[...], dn,
                            preferred_element_type=jnp.float32)
    h = _bn_relu(h + b0_ref[...], g0_ref[...], be0_ref[...])
    h = lax.dot_general(h, w1_ref[...], dn, preferred_element_type=jnp.float32)
    h = _bn_relu(h + b1_ref[...], g1_ref[...], be1_ref[...])
    h = lax.dot_general(h, w2_ref[...], dn, preferred_element_type=jnp.float32)
    h = _bn_relu(h + b2_ref[...], g2_ref[...], be2_ref[...])
    out = lax.dot_general(h, wh_ref[...], dn,
                          preferred_element_type=jnp.float32)
    out_ref[...] = out + bh_ref[...]


def kernel(numeric, categorical, tables,
           W0, b0, g0, be0, W1, b1, g1, be1, W2, b2, g2, be2, Wh, bh):
    f_off = (jnp.arange(FH, dtype=jnp.int32) * (EMB * VOCAB))[None, :, None]
    e_off = (jnp.arange(EMB, dtype=jnp.int32) * VOCAB)[None, None, :]

    gathered = []
    for h in range(2):
        flat = tables[h * FH:(h + 1) * FH].transpose(0, 2, 1).reshape(-1)
        offs = (categorical[:, h * FH:(h + 1) * FH, None] + f_off + e_off)
        offs = offs.reshape(NW * NCHUNK, CH)
        gathered.append(_make_gather()(flat, offs).reshape(B, FH * EMB))

    emb0 = gathered[0].astype(jnp.bfloat16)
    emb1 = gathered[1].astype(jnp.bfloat16)
    W0n = W0[:, :NUM_NUMERIC]
    W0e0 = W0[:, NUM_NUMERIC:NUM_NUMERIC + FH * EMB].astype(jnp.bfloat16)
    W0e1 = W0[:, NUM_NUMERIC + FH * EMB:].astype(jnp.bfloat16)
    Wh128 = jnp.zeros((128, Wh.shape[1]), Wh.dtype).at[0].set(Wh[0])
    bh128 = jnp.zeros((1, 128), bh.dtype).at[0, 0].set(bh[0])
    out = pl.pallas_call(
        _mlp_body,
        out_shape=jax.ShapeDtypeStruct((B, 128), jnp.float32),
    )(emb0, emb1, numeric, W0e0, W0e1, W0n,
      b0.reshape(1, -1), g0.reshape(1, -1), be0.reshape(1, -1),
      W1, b1.reshape(1, -1), g1.reshape(1, -1), be1.reshape(1, -1),
      W2, b2.reshape(1, -1), g2.reshape(1, -1), be2.reshape(1, -1),
      Wh128, bh128)
    return out[:, 0]

# --- scband reference (transcript-rebuilt; emitter-appended) ---
"""Pipeline reference for scband-tabular-mlp-32865089749455 (READ-ONLY COPY).

The authoritative reference and input builder live on the scoring server;
editing this copy changes nothing except your own understanding.
"""

import jax, jax.numpy as jnp
import numpy as np

B = 4096
NUM_NUMERIC = 13
NUM_FIELDS = 26
VOCAB = 100000
EMB = 32  # min(32, ceil(100000**0.25 * 2)) = 32
HIDDEN = [1024, 512, 256]
IN_DIM = NUM_NUMERIC + NUM_FIELDS * EMB  # 13 + 832 = 845
EPS = 1e-5


def setup_inputs(seed: int = 0) -> dict:
    key = jax.random.key(seed)
    ks = jax.random.split(key, 32)
    numeric = jax.random.normal(ks[0], (B, NUM_NUMERIC), dtype=jnp.float32)
    categorical = jax.random.randint(ks[1], (B, NUM_FIELDS), 0, VOCAB, dtype=jnp.int32)
    # stacked embedding tables (all fields share dim 32); padding_idx=0 row zeroed
    bound = float(np.sqrt(6.0 / (VOCAB + EMB)))
    tables = jax.random.uniform(ks[2], (NUM_FIELDS, VOCAB, EMB), dtype=jnp.float32, minval=-bound, maxval=bound)
    tables = tables.at[:, 0, :].set(0.0)
    inp = {"numeric": numeric, "categorical": categorical, "tables": tables}
    prev = IN_DIM
    for li, width in enumerate(HIDDEN):
        s = 1.0 / np.sqrt(prev)
        inp[f"W{li}"] = jax.random.uniform(ks[3 + 4 * li], (width, prev), dtype=jnp.float32, minval=-s, maxval=s)
        inp[f"b{li}"] = jax.random.uniform(ks[4 + 4 * li], (width,), dtype=jnp.float32, minval=-s, maxval=s)
        inp[f"g{li}"] = jnp.ones((width,), dtype=jnp.float32)
        inp[f"be{li}"] = jnp.zeros((width,), dtype=jnp.float32)
        prev = width
    s = 1.0 / np.sqrt(prev)
    inp["Wh"] = jax.random.uniform(ks[20], (1, prev), dtype=jnp.float32, minval=-s, maxval=s)
    inp["bh"] = jax.random.uniform(ks[21], (1,), dtype=jnp.float32, minval=-s, maxval=s)
    return inp


def reference(numeric, categorical, tables, W0, b0, g0, be0, W1, b1, g1, be1, W2, b2, g2, be2, Wh, bh):
    # embedding lookup per field: tables[f, categorical[:, f]]
    f_idx = jnp.arange(NUM_FIELDS)[None, :]
    embeds = tables[f_idx, categorical]            # [B, NUM_FIELDS, EMB]
    embeds = embeds.reshape(embeds.shape[0], -1)   # [B, NUM_FIELDS*EMB]
    features = jnp.concatenate([numeric, embeds], axis=1)

    def block(h, W, b, g, be):
        h = h @ W.T + b
        h = jax.nn.relu(h)
        mean = jnp.mean(h, axis=0)
        var = jnp.var(h, axis=0)  # biased, matches torch BatchNorm1d training mode
        h = (h - mean) / jnp.sqrt(var + EPS) * g + be
        return h

    h = block(features, W0, b0, g0, be0)
    h = block(h, W1, b1, g1, be1)
    h = block(h, W2, b2, g2, be2)
    out = h @ Wh.T + bh
    return out.squeeze(axis=1)

if __name__ == "__main__":
    import jax
    _d = setup_inputs()
    print(jax.jit(kernel)(*tuple(_d.values())))

</pallas_src>

<mosaic_0001>
#map = affine_map<(d0, d1) -> (0)>
#map1 = affine_map<(d0, d1) -> (0, 0)>
module attributes {stable_mosaic.version = 14 : i64} {
  func.func @_gather_body(%arg0: i32, %arg1: i32, %arg2: memref<41600000xf32, #tpu.memory_space<hbm>>, %arg3: memref<64x26624xi32, #tpu.memory_space<hbm>>, %arg4: memref<64x26624xf32, #tpu.memory_space<hbm>>, %arg5: memref<26624xi32, #tpu.memory_space<vmem>>, %arg6: memref<26624xi32, #tpu.memory_space<vmem>>, %arg7: memref<26624xf32, #tpu.memory_space<vmem>>, %arg8: memref<26624xf32, #tpu.memory_space<vmem>>, %arg9: memref<!tpu.dma_semaphore, #tpu.memory_space<semaphore_mem>>, %arg10: memref<!tpu.dma_semaphore, #tpu.memory_space<semaphore_mem>>) attributes {dimension_semantics = [#tpu.dimension_semantics<core_parallel>, #tpu.dimension_semantics<subcore_parallel>], iteration_bounds = array<i64: 2, 16>, scalar_prefetch = 0 : i64, scratch_operands = 6 : i64, tpu.core_type = #tpu.core_type<sc_vector_subcore>, window_params = [{transform_indices = #map}, {transform_indices = #map1}, {transform_indices = #map1}]} {
    %mul3A = arith.constant 2 : i32
    %mul3A_0 = arith.muli %arg1, %mul3A : i32
    %add3A = arith.addi %mul3A_0, %arg0 : i32
    %mul3A_1 = arith.constant 2 : i32
    %mul3A_2 = arith.muli %add3A, %mul3A_1 : i32
    %add3A_3 = arith.constant 0 : i32
    %add3A_4 = arith.addi %mul3A_2, %add3A_3 : i32
    "tpu.region"() ({
      %run_scoped3A = tpu.sem_alloc : memref<!tpu.dma_semaphore, #tpu.memory_space<semaphore_mem>>
      %dma_start3A_26 = arith.constant 0 : i32
      %dma_start3A_27 = tpu.memref_slice %arg3[%add3A_4, %dma_start3A_26] : memref<64x26624xi32, #tpu.memory_space<hbm>> -> memref<1x26624xi32, #tpu.memory_space<hbm>>
      %dma_start3A_28 = tpu.memref_squeeze %dma_start3A_27 : memref<1x26624xi32, #tpu.memory_space<hbm>> -> memref<26624xi32, #tpu.memory_space<hbm>>
      %dma_start3A_29 = arith.constant 0 : i32
      %dma_start3A_30 = tpu.memref_slice %arg3[%add3A_4, %dma_start3A_29] : memref<64x26624xi32, #tpu.memory_space<hbm>> -> memref<1x26624xi32, #tpu.memory_space<hbm>>
      %dma_start3A_31 = tpu.memref_squeeze %dma_start3A_30 : memref<1x26624xi32, #tpu.memory_space<hbm>> -> memref<26624xi32, #tpu.memory_space<hbm>>
      tpu.enqueue_dma source(%dma_start3A_31 : memref<26624xi32, #tpu.memory_space<hbm>>) target(%arg5 : memref<26624xi32, #tpu.memory_space<vmem>>) target_semaphore(%run_scoped3A : memref<!tpu.dma_semaphore, #tpu.memory_space<semaphore_mem>>)
      %dma_wait3A_32 = arith.constant 0 : i32
      %dma_wait3A_33 = tpu.memref_slice %arg3[%add3A_4, %dma_wait3A_32] : memref<64x26624xi32, #tpu.memory_space<hbm>> -> memref<1x26624xi32, #tpu.memory_space<hbm>>
      %dma_wait3A_34 = tpu.memref_squeeze %dma_wait3A_33 : memref<1x26624xi32, #tpu.memory_space<hbm>> -> memref<26624xi32, #tpu.memory_space<hbm>>
      %dma_wait3A_35 = arith.constant 0 : i32
      %dma_wait3A_36 = tpu.memref_slice %arg3[%add3A_4, %dma_wait3A_35] : memref<64x26624xi32, #tpu.memory_space<hbm>> -> memref<1x26624xi32, #tpu.memory_space<hbm>>
      %dma_wait3A_37 = tpu.memref_squeeze %dma_wait3A_36 : memref<1x26624xi32, #tpu.memory_space<hbm>> -> memref<26624xi32, #tpu.memory_space<hbm>>
      tpu.wait_dma2 semaphore(%run_scoped3A : memref<!tpu.dma_semaphore, #tpu.memory_space<semaphore_mem>>) src(%dma_wait3A_37 : memref<26624xi32, #tpu.memory_space<hbm>>) dst(%arg5 : memref<26624xi32, #tpu.memory_space<vmem>>)
      tpu.yield
    }) : () -> ()
    %dma_start3A = arith.constant 0 : i32
    %dma_start3A_5 = tpu.memref_slice %arg2[%dma_start3A] : memref<41600000xf32, #tpu.memory_space<hbm>> -> memref<41600000xf32, #tpu.memory_space<hbm>>
    tpu.enqueue_indirect_dma source(%dma_start3A_5 : memref<41600000xf32, #tpu.memory_space<hbm>>) target(%arg7 : memref<26624xf32, #tpu.memory_space<vmem>>) offsets(%arg5 : memref<26624xi32, #tpu.memory_space<vmem>>) semaphore(%arg9 : memref<!tpu.dma_semaphore, #tpu.memory_space<semaphore_mem>>)
    %mul3A_6 = arith.constant 2 : i32
    %mul3A_7 = arith.muli %add3A, %mul3A_6 : i32
    %add3A_8 = arith.constant 1 : i32
    %add3A_9 = arith.addi %mul3A_7, %add3A_8 : i32
    "tpu.region"() ({
      %run_scoped3A = tpu.sem_alloc : memref<!tpu.dma_semaphore, #tpu.memory_space<semaphore_mem>>
      %dma_start3A_26 = arith.constant 0 : i32
      %dma_start3A_27 = tpu.memref_slice %arg3[%add3A_9, %dma_start3A_26] : memref<64x26624xi32, #tpu.memory_space<hbm>> -> memref<1x26624xi32, #tpu.memory_space<hbm>>
      %dma_start3A_28 = tpu.memref_squeeze %dma_start3A_27 : memref<1x26624xi32, #tpu.memory_space<hbm>> -> memref<26624xi32, #tpu.memory_space<hbm>>
      %dma_start3A_29 = arith.constant 0 : i32
      %dma_start3A_30 = tpu.memref_slice %arg3[%add3A_9, %dma_start3A_29] : memref<64x26624xi32, #tpu.memory_space<hbm>> -> memref<1x26624xi32, #tpu.memory_space<hbm>>
      %dma_start3A_31 = tpu.memref_squeeze %dma_start3A_30 : memref<1x26624xi32, #tpu.memory_space<hbm>> -> memref<26624xi32, #tpu.memory_space<hbm>>
      tpu.enqueue_dma source(%dma_start3A_31 : memref<26624xi32, #tpu.memory_space<hbm>>) target(%arg6 : memref<26624xi32, #tpu.memory_space<vmem>>) target_semaphore(%run_scoped3A : memref<!tpu.dma_semaphore, #tpu.memory_space<semaphore_mem>>)
      %dma_wait3A_32 = arith.constant 0 : i32
      %dma_wait3A_33 = tpu.memref_slice %arg3[%add3A_9, %dma_wait3A_32] : memref<64x26624xi32, #tpu.memory_space<hbm>> -> memref<1x26624xi32, #tpu.memory_space<hbm>>
      %dma_wait3A_34 = tpu.memref_squeeze %dma_wait3A_33 : memref<1x26624xi32, #tpu.memory_space<hbm>> -> memref<26624xi32, #tpu.memory_space<hbm>>
      %dma_wait3A_35 = arith.constant 0 : i32
      %dma_wait3A_36 = tpu.memref_slice %arg3[%add3A_9, %dma_wait3A_35] : memref<64x26624xi32, #tpu.memory_space<hbm>> -> memref<1x26624xi32, #tpu.memory_space<hbm>>
      %dma_wait3A_37 = tpu.memref_squeeze %dma_wait3A_36 : memref<1x26624xi32, #tpu.memory_space<hbm>> -> memref<26624xi32, #tpu.memory_space<hbm>>
      tpu.wait_dma2 semaphore(%run_scoped3A : memref<!tpu.dma_semaphore, #tpu.memory_space<semaphore_mem>>) src(%dma_wait3A_37 : memref<26624xi32, #tpu.memory_space<hbm>>) dst(%arg6 : memref<26624xi32, #tpu.memory_space<vmem>>)
      tpu.yield
    }) : () -> ()
    %dma_start3A_10 = arith.constant 0 : i32
    %dma_start3A_11 = tpu.memref_slice %arg2[%dma_start3A_10] : memref<41600000xf32, #tpu.memory_space<hbm>> -> memref<41600000xf32, #tpu.memory_space<hbm>>
    tpu.enqueue_indirect_dma source(%dma_start3A_11 : memref<41600000xf32, #tpu.memory_space<hbm>>) target(%arg8 : memref<26624xf32, #tpu.memory_space<vmem>>) offsets(%arg6 : memref<26624xi32, #tpu.memory_space<vmem>>) semaphore(%arg10 : memref<!tpu.dma_semaphore, #tpu.memory_space<semaphore_mem>>)
    %dma_wait3A = arith.constant 0 : i32
    %dma_wait3A_12 = tpu.memref_slice %arg2[%dma_wait3A] : memref<41600000xf32, #tpu.memory_space<hbm>> -> memref<41600000xf32, #tpu.memory_space<hbm>>
    tpu.wait_indirect_dma semaphore(%arg9 : memref<!tpu.dma_semaphore, #tpu.memory_space<semaphore_mem>>) src(%dma_wait3A_12 : memref<41600000xf32, #tpu.memory_space<hbm>>) dst(%arg7 : memref<26624xf32, #tpu.memory_space<vmem>>)
    %mul3A_13 = arith.constant 2 : i32
    %mul3A_14 = arith.muli %add3A, %mul3A_13 : i32
    %add3A_15 = arith.constant 1 : i32
    %add3A_16 = arith.addi %mul3A_14, %add3A_15 : i32
    %sub3A = arith.constant 1 : i32
    %sub3A_17 = arith.subi %add3A_16, %sub3A : i32
    "tpu.region"() ({
      %run_scoped3A = tpu.sem_alloc : memref<!tpu.dma_semaphore, #tpu.memory_space<semaphore_mem>>
      %dma_start3A_26 = arith.constant 0 : i32
      %dma_start3A_27 = tpu.memref_slice %arg4[%sub3A_17, %dma_start3A_26] : memref<64x26624xf32, #tpu.memory_space<hbm>> -> memref<1x26624xf32, #tpu.memory_space<hbm>>
      %dma_start3A_28 = tpu.memref_squeeze %dma_start3A_27 : memref<1x26624xf32, #tpu.memory_space<hbm>> -> memref<26624xf32, #tpu.memory_space<hbm>>
      %dma_start3A_29 = arith.constant 0 : i32
      %dma_start3A_30 = tpu.memref_slice %arg4[%sub3A_17, %dma_start3A_29] : memref<64x26624xf32, #tpu.memory_space<hbm>> -> memref<1x26624xf32, #tpu.memory_space<hbm>>
      %dma_start3A_31 = tpu.memref_squeeze %dma_start3A_30 : memref<1x26624xf32, #tpu.memory_space<hbm>> -> memref<26624xf32, #tpu.memory_space<hbm>>
      tpu.enqueue_dma source(%arg7 : memref<26624xf32, #tpu.memory_space<vmem>>) target(%dma_start3A_31 : memref<26624xf32, #tpu.memory_space<hbm>>) target_semaphore(%run_scoped3A : memref<!tpu.dma_semaphore, #tpu.memory_space<semaphore_mem>>)
      %dma_wait3A_32 = arith.constant 0 : i32
      %dma_wait3A_33 = tpu.memref_slice %arg4[%sub3A_17, %dma_wait3A_32] : memref<64x26624xf32, #tpu.memory_space<hbm>> -> memref<1x26624xf32, #tpu.memory_space<hbm>>
      %dma_wait3A_34 = tpu.memref_squeeze %dma_wait3A_33 : memref<1x26624xf32, #tpu.memory_space<hbm>> -> memref<26624xf32, #tpu.memory_space<hbm>>
      %dma_wait3A_35 = arith.constant 0 : i32
      %dma_wait3A_36 = tpu.memref_slice %arg4[%sub3A_17, %dma_wait3A_35] : memref<64x26624xf32, #tpu.memory_space<hbm>> -> memref<1x26624xf32, #tpu.memory_space<hbm>>
      %dma_wait3A_37 = tpu.memref_squeeze %dma_wait3A_36 : memref<1x26624xf32, #tpu.memory_space<hbm>> -> memref<26624xf32, #tpu.memory_space<hbm>>
      tpu.wait_dma2 semaphore(%run_scoped3A : memref<!tpu.dma_semaphore, #tpu.memory_space<semaphore_mem>>) src(%arg7 : memref<26624xf32, #tpu.memory_space<vmem>>) dst(%dma_wait3A_37 : memref<26624xf32, #tpu.memory_space<hbm>>)
      tpu.yield
    }) : () -> ()
    %dma_wait3A_18 = arith.constant 0 : i32
    %dma_wait3A_19 = tpu.memref_slice %arg2[%dma_wait3A_18] : memref<41600000xf32, #tpu.memory_space<hbm>> -> memref<41600000xf32, #tpu.memory_space<hbm>>
    tpu.wait_indirect_dma semaphore(%arg10 : memref<!tpu.dma_semaphore, #tpu.memory_space<semaphore_mem>>) src(%dma_wait3A_19 : memref<41600000xf32, #tpu.memory_space<hbm>>) dst(%arg8 : memref<26624xf32, #tpu.memory_space<vmem>>)
    %mul3A_20 = arith.constant 2 : i32
    %mul3A_21 = arith.muli %add3A, %mul3A_20 : i32
    %add3A_22 = arith.constant 2 : i32
    %add3A_23 = arith.addi %mul3A_21, %add3A_22 : i32
    %sub3A_24 = arith.constant 1 : i32
    %sub3A_25 = arith.subi %add3A_23, %sub3A_24 : i32
    "tpu.region"() ({
      %run_scoped3A = tpu.sem_alloc : memref<!tpu.dma_semaphore, #tpu.memory_space<semaphore_mem>>
      %dma_start3A_26 = arith.constant 0 : i32
      %dma_start3A_27 = tpu.memref_slice %arg4[%sub3A_25, %dma_start3A_26] : memref<64x26624xf32, #tpu.memory_space<hbm>> -> memref<1x26624xf32, #tpu.memory_space<hbm>>
      %dma_start3A_28 = tpu.memref_squeeze %dma_start3A_27 : memref<1x26624xf32, #tpu.memory_space<hbm>> -> memref<26624xf32, #tpu.memory_space<hbm>>
      %dma_start3A_29 = arith.constant 0 : i32
      %dma_start3A_30 = tpu.memref_slice %arg4[%sub3A_25, %dma_start3A_29] : memref<64x26624xf32, #tpu.memory_space<hbm>> -> memref<1x26624xf32, #tpu.memory_space<hbm>>
      %dma_start3A_31 = tpu.memref_squeeze %dma_start3A_30 : memref<1x26624xf32, #tpu.memory_space<hbm>> -> memref<26624xf32, #tpu.memory_space<hbm>>
      tpu.enqueue_dma source(%arg8 : memref<26624xf32, #tpu.memory_space<vmem>>) target(%dma_start3A_31 : memref<26624xf32, #tpu.memory_space<hbm>>) target_semaphore(%run_scoped3A : memref<!tpu.dma_semaphore, #tpu.memory_space<semaphore_mem>>)
      %dma_wait3A_32 = arith.constant 0 : i32
      %dma_wait3A_33 = tpu.memref_slice %arg4[%sub3A_25, %dma_wait3A_32] : memref<64x26624xf32, #tpu.memory_space<hbm>> -> memref<1x26624xf32, #tpu.memory_space<hbm>>
      %dma_wait3A_34 = tpu.memref_squeeze %dma_wait3A_33 : memref<1x26624xf32, #tpu.memory_space<hbm>> -> memref<26624xf32, #tpu.memory_space<hbm>>
      %dma_wait3A_35 = arith.constant 0 : i32
      %dma_wait3A_36 = tpu.memref_slice %arg4[%sub3A_25, %dma_wait3A_35] : memref<64x26624xf32, #tpu.memory_space<hbm>> -> memref<1x26624xf32, #tpu.memory_space<hbm>>
      %dma_wait3A_37 = tpu.memref_squeeze %dma_wait3A_36 : memref<1x26624xf32, #tpu.memory_space<hbm>> -> memref<26624xf32, #tpu.memory_space<hbm>>
      tpu.wait_dma2 semaphore(%run_scoped3A : memref<!tpu.dma_semaphore, #tpu.memory_space<semaphore_mem>>) src(%arg8 : memref<26624xf32, #tpu.memory_space<vmem>>) dst(%dma_wait3A_37 : memref<26624xf32, #tpu.memory_space<hbm>>)
      tpu.yield
    }) : () -> ()
    return
  }
}

#map = affine_map<(d0, d1) -> (0)>
#map1 = affine_map<(d0, d1) -> (0, 0)>
module attributes {stable_mosaic.version = 14 : i64} {
  func.func @_gather_body(%arg0: i32, %arg1: i32, %arg2: memref<41600000xf32, #tpu.memory_space<hbm>>, %arg3: memref<64x26624xi32, #tpu.memory_space<hbm>>, %arg4: memref<64x26624xf32, #tpu.memory_space<hbm>>, %arg5: memref<26624xi32, #tpu.memory_space<vmem>>, %arg6: memref<26624xi32, #tpu.memory_space<vmem>>, %arg7: memref<26624xf32, #tpu.memory_space<vmem>>, %arg8: memref<26624xf32, #tpu.memory_space<vmem>>, %arg9: memref<!tpu.dma_semaphore, #tpu.memory_space<semaphore_mem>>, %arg10: memref<!tpu.dma_semaphore, #tpu.memory_space<semaphore_mem>>) attributes {dimension_semantics = [#tpu.dimension_semantics<core_parallel>, #tpu.dimension_semantics<subcore_parallel>], iteration_bounds = array<i64: 2, 16>, scalar_prefetch = 0 : i64, scratch_operands = 6 : i64, tpu.core_type = #tpu.core_type<sc_vector_subcore>, window_params = [{transform_indices = #map}, {transform_indices = #map1}, {transform_indices = #map1}]} {
    %mul3A = arith.constant 2 : i32
    %mul3A_0 = arith.muli %arg1, %mul3A : i32
    %add3A = arith.addi %mul3A_0, %arg0 : i32
    %mul3A_1 = arith.constant 2 : i32
    %mul3A_2 = arith.muli %add3A, %mul3A_1 : i32
    %add3A_3 = arith.constant 0 : i32
    %add3A_4 = arith.addi %mul3A_2, %add3A_3 : i32
    "tpu.region"() ({
      %run_scoped3A = tpu.sem_alloc : memref<!tpu.dma_semaphore, #tpu.memory_space<semaphore_mem>>
      %dma_start3A_26 = arith.constant 0 : i32
      %dma_start3A_27 = tpu.memref_slice %arg3[%add3A_4, %dma_start3A_26] : memref<64x26624xi32, #tpu.memory_space<hbm>> -> memref<1x26624xi32, #tpu.memory_space<hbm>>
      %dma_start3A_28 = tpu.memref_squeeze %dma_start3A_27 : memref<1x26624xi32, #tpu.memory_space<hbm>> -> memref<26624xi32, #tpu.memory_space<hbm>>
      %dma_start3A_29 = arith.constant 0 : i32
      %dma_start3A_30 = tpu.memref_slice %arg3[%add3A_4, %dma_start3A_29] : memref<64x26624xi32, #tpu.memory_space<hbm>> -> memref<1x26624xi32, #tpu.memory_space<hbm>>
      %dma_start3A_31 = tpu.memref_squeeze %dma_start3A_30 : memref<1x26624xi32, #tpu.memory_space<hbm>> -> memref<26624xi32, #tpu.memory_space<hbm>>
      tpu.enqueue_dma source(%dma_start3A_31 : memref<26624xi32, #tpu.memory_space<hbm>>) target(%arg5 : memref<26624xi32, #tpu.memory_space<vmem>>) target_semaphore(%run_scoped3A : memref<!tpu.dma_semaphore, #tpu.memory_space<semaphore_mem>>)
      %dma_wait3A_32 = arith.constant 0 : i32
      %dma_wait3A_33 = tpu.memref_slice %arg3[%add3A_4, %dma_wait3A_32] : memref<64x26624xi32, #tpu.memory_space<hbm>> -> memref<1x26624xi32, #tpu.memory_space<hbm>>
      %dma_wait3A_34 = tpu.memref_squeeze %dma_wait3A_33 : memref<1x26624xi32, #tpu.memory_space<hbm>> -> memref<26624xi32, #tpu.memory_space<hbm>>
      %dma_wait3A_35 = arith.constant 0 : i32
      %dma_wait3A_36 = tpu.memref_slice %arg3[%add3A_4, %dma_wait3A_35] : memref<64x26624xi32, #tpu.memory_space<hbm>> -> memref<1x26624xi32, #tpu.memory_space<hbm>>
      %dma_wait3A_37 = tpu.memref_squeeze %dma_wait3A_36 : memref<1x26624xi32, #tpu.memory_space<hbm>> -> memref<26624xi32, #tpu.memory_space<hbm>>
      tpu.wait_dma2 semaphore(%run_scoped3A : memref<!tpu.dma_semaphore, #tpu.memory_space<semaphore_mem>>) src(%dma_wait3A_37 : memref<26624xi32, #tpu.memory_space<hbm>>) dst(%arg5 : memref<26624xi32, #tpu.memory_space<vmem>>)
      tpu.yield
    }) : () -> ()
    %dma_start3A = arith.constant 0 : i32
    %dma_start3A_5 = tpu.memref_slice %arg2[%dma_start3A] : memref<41600000xf32, #tpu.memory_space<hbm>> -> memref<41600000xf32, #tpu.memory_space<hbm>>
    tpu.enqueue_indirect_dma source(%dma_start3A_5 : memref<41600000xf32, #tpu.memory_space<hbm>>) target(%arg7 : memref<26624xf32, #tpu.memory_space<vmem>>) offsets(%arg5 : memref<26624xi32, #tpu.memory_space<vmem>>) semaphore(%arg9 : memref<!tpu.dma_semaphore, #tpu.memory_space<semaphore_mem>>)
    %mul3A_6 = arith.constant 2 : i32
    %mul3A_7 = arith.muli %add3A, %mul3A_6 : i32
    %add3A_8 = arith.constant 1 : i32
    %add3A_9 = arith.addi %mul3A_7, %add3A_8 : i32
    "tpu.region"() ({
      %run_scoped3A = tpu.sem_alloc : memref<!tpu.dma_semaphore, #tpu.memory_space<semaphore_mem>>
      %dma_start3A_26 = arith.constant 0 : i32
      %dma_start3A_27 = tpu.memref_slice %arg3[%add3A_9, %dma_start3A_26] : memref<64x26624xi32, #tpu.memory_space<hbm>> -> memref<1x26624xi32, #tpu.memory_space<hbm>>
      %dma_start3A_28 = tpu.memref_squeeze %dma_start3A_27 : memref<1x26624xi32, #tpu.memory_space<hbm>> -> memref<26624xi32, #tpu.memory_space<hbm>>
      %dma_start3A_29 = arith.constant 0 : i32
      %dma_start3A_30 = tpu.memref_slice %arg3[%add3A_9, %dma_start3A_29] : memref<64x26624xi32, #tpu.memory_space<hbm>> -> memref<1x26624xi32, #tpu.memory_space<hbm>>
      %dma_start3A_31 = tpu.memref_squeeze %dma_start3A_30 : memref<1x26624xi32, #tpu.memory_space<hbm>> -> memref<26624xi32, #tpu.memory_space<hbm>>
      tpu.enqueue_dma source(%dma_start3A_31 : memref<26624xi32, #tpu.memory_space<hbm>>) target(%arg6 : memref<26624xi32, #tpu.memory_space<vmem>>) target_semaphore(%run_scoped3A : memref<!tpu.dma_semaphore, #tpu.memory_space<semaphore_mem>>)
      %dma_wait3A_32 = arith.constant 0 : i32
      %dma_wait3A_33 = tpu.memref_slice %arg3[%add3A_9, %dma_wait3A_32] : memref<64x26624xi32, #tpu.memory_space<hbm>> -> memref<1x26624xi32, #tpu.memory_space<hbm>>
      %dma_wait3A_34 = tpu.memref_squeeze %dma_wait3A_33 : memref<1x26624xi32, #tpu.memory_space<hbm>> -> memref<26624xi32, #tpu.memory_space<hbm>>
      %dma_wait3A_35 = arith.constant 0 : i32
      %dma_wait3A_36 = tpu.memref_slice %arg3[%add3A_9, %dma_wait3A_35] : memref<64x26624xi32, #tpu.memory_space<hbm>> -> memref<1x26624xi32, #tpu.memory_space<hbm>>
      %dma_wait3A_37 = tpu.memref_squeeze %dma_wait3A_36 : memref<1x26624xi32, #tpu.memory_space<hbm>> -> memref<26624xi32, #tpu.memory_space<hbm>>
      tpu.wait_dma2 semaphore(%run_scoped3A : memref<!tpu.dma_semaphore, #tpu.memory_space<semaphore_mem>>) src(%dma_wait3A_37 : memref<26624xi32, #tpu.memory_space<hbm>>) dst(%arg6 : memref<26624xi32, #tpu.memory_space<vmem>>)
      tpu.yield
    }) : () -> ()
    %dma_start3A_10 = arith.constant 0 : i32
    %dma_start3A_11 = tpu.memref_slice %arg2[%dma_start3A_10] : memref<41600000xf32, #tpu.memory_space<hbm>> -> memref<41600000xf32, #tpu.memory_space<hbm>>
    tpu.enqueue_indirect_dma source(%dma_start3A_11 : memref<41600000xf32, #tpu.memory_space<hbm>>) target(%arg8 : memref<26624xf32, #tpu.memory_space<vmem>>) offsets(%arg6 : memref<26624xi32, #tpu.memory_space<vmem>>) semaphore(%arg10 : memref<!tpu.dma_semaphore, #tpu.memory_space<semaphore_mem>>)
    %dma_wait3A = arith.constant 0 : i32
    %dma_wait3A_12 = tpu.memref_slice %arg2[%dma_wait3A] : memref<41600000xf32, #tpu.memory_space<hbm>> -> memref<41600000xf32, #tpu.memory_space<hbm>>
    tpu.wait_indirect_dma semaphore(%arg9 : memref<!tpu.dma_semaphore, #tpu.memory_space<semaphore_mem>>) src(%dma_wait3A_12 : memref<41600000xf32, #tpu.memory_space<hbm>>) dst(%arg7 : memref<26624xf32, #tpu.memory_space<vmem>>)
    %mul3A_13 = arith.constant 2 : i32
    %mul3A_14 = arith.muli %add3A, %mul3A_13 : i32
    %add3A_15 = arith.constant 1 : i32
    %add3A_16 = arith.addi %mul3A_14, %add3A_15 : i32
    %sub3A = arith.constant 1 : i32
    %sub3A_17 = arith.subi %add3A_16, %sub3A : i32
    "tpu.region"() ({
      %run_scoped3A = tpu.sem_alloc : memref<!tpu.dma_semaphore, #tpu.memory_space<semaphore_mem>>
      %dma_start3A_26 = arith.constant 0 : i32
      %dma_start3A_27 = tpu.memref_slice %arg4[%sub3A_17, %dma_start3A_26] : memref<64x26624xf32, #tpu.memory_space<hbm>> -> memref<1x26624xf32, #tpu.memory_space<hbm>>
      %dma_start3A_28 = tpu.memref_squeeze %dma_start3A_27 : memref<1x26624xf32, #tpu.memory_space<hbm>> -> memref<26624xf32, #tpu.memory_space<hbm>>
      %dma_start3A_29 = arith.constant 0 : i32
      %dma_start3A_30 = tpu.memref_slice %arg4[%sub3A_17, %dma_start3A_29] : memref<64x26624xf32, #tpu.memory_space<hbm>> -> memref<1x26624xf32, #tpu.memory_space<hbm>>
      %dma_start3A_31 = tpu.memref_squeeze %dma_start3A_30 : memref<1x26624xf32, #tpu.memory_space<hbm>> -> memref<26624xf32, #tpu.memory_space<hbm>>
      tpu.enqueue_dma source(%arg7 : memref<26624xf32, #tpu.memory_space<vmem>>) target(%dma_start3A_31 : memref<26624xf32, #tpu.memory_space<hbm>>) target_semaphore(%run_scoped3A : memref<!tpu.dma_semaphore, #tpu.memory_space<semaphore_mem>>)
      %dma_wait3A_32 = arith.constant 0 : i32
      %dma_wait3A_33 = tpu.memref_slice %arg4[%sub3A_17, %dma_wait3A_32] : memref<64x26624xf32, #tpu.memory_space<hbm>> -> memref<1x26624xf32, #tpu.memory_space<hbm>>
      %dma_wait3A_34 = tpu.memref_squeeze %dma_wait3A_33 : memref<1x26624xf32, #tpu.memory_space<hbm>> -> memref<26624xf32, #tpu.memory_space<hbm>>
      %dma_wait3A_35 = arith.constant 0 : i32
      %dma_wait3A_36 = tpu.memref_slice %arg4[%sub3A_17, %dma_wait3A_35] : memref<64x26624xf32, #tpu.memory_space<hbm>> -> memref<1x26624xf32, #tpu.memory_space<hbm>>
      %dma_wait3A_37 = tpu.memref_squeeze %dma_wait3A_36 : memref<1x26624xf32, #tpu.memory_space<hbm>> -> memref<26624xf32, #tpu.memory_space<hbm>>
      tpu.wait_dma2 semaphore(%run_scoped3A : memref<!tpu.dma_semaphore, #tpu.memory_space<semaphore_mem>>) src(%arg7 : memref<26624xf32, #tpu.memory_space<vmem>>) dst(%dma_wait3A_37 : memref<26624xf32, #tpu.memory_space<hbm>>)
      tpu.yield
    }) : () -> ()
    %dma_wait3A_18 = arith.constant 0 : i32
    %dma_wait3A_19 = tpu.memref_slice %arg2[%dma_wait3A_18] : memref<41600000xf32, #tpu.memory_space<hbm>> -> memref<41600000xf32, #tpu.memory_space<hbm>>
    tpu.wait_indirect_dma semaphore(%arg10 : memref<!tpu.dma_semaphore, #tpu.memory_space<semaphore_mem>>) src(%dma_wait3A_19 : memref<41600000xf32, #tpu.memory_space<hbm>>) dst(%arg8 : memref<26624xf32, #tpu.memory_space<vmem>>)
    %mul3A_20 = arith.constant 2 : i32
    %mul3A_21 = arith.muli %add3A, %mul3A_20 : i32
    %add3A_22 = arith.constant 2 : i32
    %add3A_23 = arith.addi %mul3A_21, %add3A_22 : i32
    %sub3A_24 = arith.constant 1 : i32
    %sub3A_25 = arith.subi %add3A_23, %sub3A_24 : i32
    "tpu.region"() ({
      %run_scoped3A = tpu.sem_alloc : memref<!tpu.dma_semaphore, #tpu.memory_space<semaphore_mem>>
      %dma_start3A_26 = arith.constant 0 : i32
      %dma_start3A_27 = tpu.memref_slice %arg4[%sub3A_25, %dma_start3A_26] : memref<64x26624xf32, #tpu.memory_space<hbm>> -> memref<1x26624xf32, #tpu.memory_space<hbm>>
      %dma_start3A_28 = tpu.memref_squeeze %dma_start3A_27 : memref<1x26624xf32, #tpu.memory_space<hbm>> -> memref<26624xf32, #tpu.memory_space<hbm>>
      %dma_start3A_29 = arith.constant 0 : i32
      %dma_start3A_30 = tpu.memref_slice %arg4[%sub3A_25, %dma_start3A_29] : memref<64x26624xf32, #tpu.memory_space<hbm>> -> memref<1x26624xf32, #tpu.memory_space<hbm>>
      %dma_start3A_31 = tpu.memref_squeeze %dma_start3A_30 : memref<1x26624xf32, #tpu.memory_space<hbm>> -> memref<26624xf32, #tpu.memory_space<hbm>>
      tpu.enqueue_dma source(%arg8 : memref<26624xf32, #tpu.memory_space<vmem>>) target(%dma_start3A_31 : memref<26624xf32, #tpu.memory_space<hbm>>) target_semaphore(%run_scoped3A : memref<!tpu.dma_semaphore, #tpu.memory_space<semaphore_mem>>)
      %dma_wait3A_32 = arith.constant 0 : i32
      %dma_wait3A_33 = tpu.memref_slice %arg4[%sub3A_25, %dma_wait3A_32] : memref<64x26624xf32, #tpu.memory_space<hbm>> -> memref<1x26624xf32, #tpu.memory_space<hbm>>
      %dma_wait3A_34 = tpu.memref_squeeze %dma_wait3A_33 : memref<1x26624xf32, #tpu.memory_space<hbm>> -> memref<26624xf32, #tpu.memory_space<hbm>>
      %dma_wait3A_35 = arith.constant 0 : i32
      %dma_wait3A_36 = tpu.memref_slice %arg4[%sub3A_25, %dma_wait3A_35] : memref<64x26624xf32, #tpu.memory_space<hbm>> -> memref<1x26624xf32, #tpu.memory_space<hbm>>
      %dma_wait3A_37 = tpu.memref_squeeze %dma_wait3A_36 : memref<1x26624xf32, #tpu.memory_space<hbm>> -> memref<26624xf32, #tpu.memory_space<hbm>>
      tpu.wait_dma2 semaphore(%run_scoped3A : memref<!tpu.dma_semaphore, #tpu.memory_space<semaphore_mem>>) src(%arg8 : memref<26624xf32, #tpu.memory_space<vmem>>) dst(%dma_wait3A_37 : memref<26624xf32, #tpu.memory_space<hbm>>)
      tpu.yield
    }) : () -> ()
    return
  }
}

module attributes {stable_mosaic.version = 14 : i64} {
  func.func @_mlp_body(%arg0: memref<4096x416xbf16, #tpu.memory_space<vmem>>, %arg1: memref<4096x416xbf16, #tpu.memory_space<vmem>>, %arg2: memref<4096x13xf32, #tpu.memory_space<vmem>>, %arg3: memref<1024x416xbf16, #tpu.memory_space<vmem>>, %arg4: memref<1024x416xbf16, #tpu.memory_space<vmem>>, %arg5: memref<1024x13xf32, #tpu.memory_space<vmem>>, %arg6: memref<1x1024xf32, #tpu.memory_space<vmem>>, %arg7: memref<1x1024xf32, #tpu.memory_space<vmem>>, %arg8: memref<1x1024xf32, #tpu.memory_space<vmem>>, %arg9: memref<512x1024xf32, #tpu.memory_space<vmem>>, %arg10: memref<1x512xf32, #tpu.memory_space<vmem>>, %arg11: memref<1x512xf32, #tpu.memory_space<vmem>>, %arg12: memref<1x512xf32, #tpu.memory_space<vmem>>, %arg13: memref<256x512xf32, #tpu.memory_space<vmem>>, %arg14: memref<1x256xf32, #tpu.memory_space<vmem>>, %arg15: memref<1x256xf32, #tpu.memory_space<vmem>>, %arg16: memref<1x256xf32, #tpu.memory_space<vmem>>, %arg17: memref<128x256xf32, #tpu.memory_space<vmem>>, %arg18: memref<1x128xf32, #tpu.memory_space<vmem>>, %arg19: memref<4096x128xf32, #tpu.memory_space<vmem>>) attributes {dimension_semantics = [], scalar_prefetch = 0 : i64, scratch_operands = 0 : i64, tpu.core_type = #tpu.core_type<tc>} {
    %get3A = arith.constant 0 : index
    %get3A_0 = arith.constant 0 : index
    %get3A_1 = vector.load %arg0[%get3A, %get3A_0] : memref<4096x416xbf16, #tpu.memory_space<vmem>>, vector<4096x416xbf16>
    %get3A_2 = arith.constant 0 : index
    %get3A_3 = arith.constant 0 : index
    %get3A_4 = vector.load %arg3[%get3A_2, %get3A_3] : memref<1024x416xbf16, #tpu.memory_space<vmem>>, vector<1024x416xbf16>
    %dot_general3A = arith.constant dense<0.000000e+00> : vector<4096x1024xf32>
    %dot_general3A_5 = tpu.matmul %get3A_1, %get3A_4, %dot_general3A {dimension_numbers = #tpu.dot_dimension_numbers<[1], [1], [0], [0], [0, 0, 1, 0], [], []>, transpose_lhs_hint = false} : vector<4096x416xbf16>, vector<1024x416xbf16>, vector<4096x1024xf32> -> vector<4096x1024xf32>
    %get3A_6 = arith.constant 0 : index
    %get3A_7 = arith.constant 0 : index
    %get3A_8 = vector.load %arg1[%get3A_6, %get3A_7] : memref<4096x416xbf16, #tpu.memory_space<vmem>>, vector<4096x416xbf16>
    %get3A_9 = arith.constant 0 : index
    %get3A_10 = arith.constant 0 : index
    %get3A_11 = vector.load %arg4[%get3A_9, %get3A_10] : memref<1024x416xbf16, #tpu.memory_space<vmem>>, vector<1024x416xbf16>
    %dot_general3A_12 = arith.constant dense<0.000000e+00> : vector<4096x1024xf32>
    %dot_general3A_13 = tpu.matmul %get3A_8, %get3A_11, %dot_general3A_12 {dimension_numbers = #tpu.dot_dimension_numbers<[1], [1], [0], [0], [0, 0, 1, 0], [], []>, transpose_lhs_hint = false} : vector<4096x416xbf16>, vector<1024x416xbf16>, vector<4096x1024xf32> -> vector<4096x1024xf32>
    %add3A = arith.addf %dot_general3A_5, %dot_general3A_13 : vector<4096x1024xf32>
    %get3A_14 = arith.constant 0 : index
    %get3A_15 = arith.constant 0 : index
    %get3A_16 = vector.load %arg2[%get3A_14, %get3A_15] : memref<4096x13xf32, #tpu.memory_space<vmem>>, vector<4096x13xf32>
    %get3A_17 = arith.constant 0 : index
    %get3A_18 = arith.constant 0 : index
    %get3A_19 = vector.load %arg5[%get3A_17, %get3A_18] : memref<1024x13xf32, #tpu.memory_space<vmem>>, vector<1024x13xf32>
    %dot_general3A_20 = arith.constant dense<0.000000e+00> : vector<4096x1024xf32>
    %dot_general3A_21 = tpu.matmul %get3A_16, %get3A_19, %dot_general3A_20 {dimension_numbers = #tpu.dot_dimension_numbers<[1], [1], [0], [0], [0, 0, 1, 0], [], []>, transpose_lhs_hint = false} : vector<4096x13xf32>, vector<1024x13xf32>, vector<4096x1024xf32> -> vector<4096x1024xf32>
    %add3A_22 = arith.addf %add3A, %dot_general3A_21 : vector<4096x1024xf32>
    %get3A_23 = arith.constant 0 : index
    %get3A_24 = arith.constant 0 : index
    %get3A_25 = vector.load %arg6[%get3A_23, %get3A_24] : memref<1x1024xf32, #tpu.memory_space<vmem>>, vector<1x1024xf32>
    %add3A_26 = vector.broadcast %get3A_25 : vector<1x1024xf32> to vector<4096x1024xf32>
    %add3A_27 = arith.addf %add3A_22, %add3A_26 : vector<4096x1024xf32>
    %get3A_28 = arith.constant 0 : index
    %get3A_29 = arith.constant 0 : index
    %get3A_30 = vector.load %arg7[%get3A_28, %get3A_29] : memref<1x1024xf32, #tpu.memory_space<vmem>>, vector<1x1024xf32>
    %get3A_31 = arith.constant 0 : index
    %get3A_32 = arith.constant 0 : index
    %get3A_33 = vector.load %arg8[%get3A_31, %get3A_32] : memref<1x1024xf32, #tpu.memory_space<vmem>>, vector<1x1024xf32>
    %max3A = arith.constant 0.000000e+00 : f32
    %max3A_34 = vector.broadcast %max3A : f32 to vector<4096x1024xf32>
    %max3A_35 = arith.maximumf %add3A_27, %max3A_34 : vector<4096x1024xf32>
    %reduce_sum3A = arith.constant dense<0.000000e+00> : vector<1024xf32>
    %reduce_sum3A_36 = vector.multi_reduction <add>, %max3A_35, %reduce_sum3A [0] : vector<4096x1024xf32> to vector<1024xf32>
    %broadcast_in_dim3A = vector.shape_cast %reduce_sum3A_36 : vector<1024xf32> to vector<1x1024xf32>
    %div3A = arith.constant 4.096000e+03 : f32
    %div3A_37 = vector.broadcast %div3A : f32 to vector<1x1024xf32>
    %div3A_38 = arith.divf %broadcast_in_dim3A, %div3A_37 : vector<1x1024xf32>
    %sub3A = vector.broadcast %div3A_38 : vector<1x1024xf32> to vector<4096x1024xf32>
    %sub3A_39 = arith.subf %max3A_35, %sub3A : vector<4096x1024xf32>
    %mul3A = arith.mulf %sub3A_39, %sub3A_39 : vector<4096x1024xf32>
    %reduce_sum3A_40 = arith.constant dense<0.000000e+00> : vector<1024xf32>
    %reduce_sum3A_41 = vector.multi_reduction <add>, %mul3A, %reduce_sum3A_40 [0] : vector<4096x1024xf32> to vector<1024xf32>
    %broadcast_in_dim3A_42 = vector.shape_cast %reduce_sum3A_41 : vector<1024xf32> to vector<1x1024xf32>
    %div3A_43 = arith.constant 4.096000e+03 : f32
    %div3A_44 = vector.broadcast %div3A_43 : f32 to vector<1x1024xf32>
    %div3A_45 = arith.divf %broadcast_in_dim3A_42, %div3A_44 : vector<1x1024xf32>
    %add3A_46 = arith.constant 9.99999974E-6 : f32
    %add3A_47 = vector.broadcast %add3A_46 : f32 to vector<1x1024xf32>
    %add3A_48 = arith.addf %div3A_45, %add3A_47 : vector<1x1024xf32>
    %rsqrt3A = math.rsqrt %add3A_48 : vector<1x1024xf32>
    %mul3A_49 = arith.mulf %get3A_30, %rsqrt3A : vector<1x1024xf32>
    %mul3A_50 = vector.broadcast %mul3A_49 : vector<1x1024xf32> to vector<4096x1024xf32>
    %mul3A_51 = arith.mulf %sub3A_39, %mul3A_50 : vector<4096x1024xf32>
    %add3A_52 = vector.broadcast %get3A_33 : vector<1x1024xf32> to vector<4096x1024xf32>
    %add3A_53 = arith.addf %mul3A_51, %add3A_52 : vector<4096x1024xf32>
    %get3A_54 = arith.constant 0 : index
    %get3A_55 = arith.constant 0 : index
    %get3A_56 = vector.load %arg9[%get3A_54, %get3A_55] : memref<512x1024xf32, #tpu.memory_space<vmem>>, vector<512x1024xf32>
    %dot_general3A_57 = arith.constant dense<0.000000e+00> : vector<4096x512xf32>
    %dot_general3A_58 = tpu.matmul %add3A_53, %get3A_56, %dot_general3A_57 {dimension_numbers = #tpu.dot_dimension_numbers<[1], [1], [0], [0], [0, 0, 1, 0], [], []>, transpose_lhs_hint = false} : vector<4096x1024xf32>, vector<512x1024xf32>, vector<4096x512xf32> -> vector<4096x512xf32>
    %get3A_59 = arith.constant 0 : index
    %get3A_60 = arith.constant 0 : index
    %get3A_61 = vector.load %arg10[%get3A_59, %get3A_60] : memref<1x512xf32, #tpu.memory_space<vmem>>, vector<1x512xf32>
    %add3A_62 = vector.broadcast %get3A_61 : vector<1x512xf32> to vector<4096x512xf32>
    %add3A_63 = arith.addf %dot_general3A_58, %add3A_62 : vector<4096x512xf32>
    %get3A_64 = arith.constant 0 : index
    %get3A_65 = arith.constant 0 : index
    %get3A_66 = vector.load %arg11[%get3A_64, %get3A_65] : memref<1x512xf32, #tpu.memory_space<vmem>>, vector<1x512xf32>
    %get3A_67 = arith.constant 0 : index
    %get3A_68 = arith.constant 0 : index
    %get3A_69 = vector.load %arg12[%get3A_67, %get3A_68] : memref<1x512xf32, #tpu.memory_space<vmem>>, vector<1x512xf32>
    %max3A_70 = arith.constant 0.000000e+00 : f32
    %max3A_71 = vector.broadcast %max3A_70 : f32 to vector<4096x512xf32>
    %max3A_72 = arith.maximumf %add3A_63, %max3A_71 : vector<4096x512xf32>
    %reduce_sum3A_73 = arith.constant dense<0.000000e+00> : vector<512xf32>
    %reduce_sum3A_74 = vector.multi_reduction <add>, %max3A_72, %reduce_sum3A_73 [0] : vector<4096x512xf32> to vector<512xf32>
    %broadcast_in_dim3A_75 = vector.shape_cast %reduce_sum3A_74 : vector<512xf32> to vector<1x512xf32>
    %div3A_76 = arith.constant 4.096000e+03 : f32
    %div3A_77 = vector.broadcast %div3A_76 : f32 to vector<1x512xf32>
    %div3A_78 = arith.divf %broadcast_in_dim3A_75, %div3A_77 : vector<1x512xf32>
    %sub3A_79 = vector.broadcast %div3A_78 : vector<1x512xf32> to vector<4096x512xf32>
    %sub3A_80 = arith.subf %max3A_72, %sub3A_79 : vector<4096x512xf32>
    %mul3A_81 = arith.mulf %sub3A_80, %sub3A_80 : vector<4096x512xf32>
    %reduce_sum3A_82 = arith.constant dense<0.000000e+00> : vector<512xf32>
    %reduce_sum3A_83 = vector.multi_reduction <add>, %mul3A_81, %reduce_sum3A_82 [0] : vector<4096x512xf32> to vector<512xf32>
    %broadcast_in_dim3A_84 = vector.shape_cast %reduce_sum3A_83 : vector<512xf32> to vector<1x512xf32>
    %div3A_85 = arith.constant 4.096000e+03 : f32
    %div3A_86 = vector.broadcast %div3A_85 : f32 to vector<1x512xf32>
    %div3A_87 = arith.divf %broadcast_in_dim3A_84, %div3A_86 : vector<1x512xf32>
    %add3A_88 = arith.constant 9.99999974E-6 : f32
    %add3A_89 = vector.broadcast %add3A_88 : f32 to vector<1x512xf32>
    %add3A_90 = arith.addf %div3A_87, %add3A_89 : vector<1x512xf32>
    %rsqrt3A_91 = math.rsqrt %add3A_90 : vector<1x512xf32>
    %mul3A_92 = arith.mulf %get3A_66, %rsqrt3A_91 : vector<1x512xf32>
    %mul3A_93 = vector.broadcast %mul3A_92 : vector<1x512xf32> to vector<4096x512xf32>
    %mul3A_94 = arith.mulf %sub3A_80, %mul3A_93 : vector<4096x512xf32>
    %add3A_95 = vector.broadcast %get3A_69 : vector<1x512xf32> to vector<4096x512xf32>
    %add3A_96 = arith.addf %mul3A_94, %add3A_95 : vector<4096x512xf32>
    %get3A_97 = arith.constant 0 : index
    %get3A_98 = arith.constant 0 : index
    %get3A_99 = vector.load %arg13[%get3A_97, %get3A_98] : memref<256x512xf32, #tpu.memory_space<vmem>>, vector<256x512xf32>
    %dot_general3A_100 = arith.constant dense<0.000000e+00> : vector<4096x256xf32>
    %dot_general3A_101 = tpu.matmul %add3A_96, %get3A_99, %dot_general3A_100 {dimension_numbers = #tpu.dot_dimension_numbers<[1], [1], [0], [0], [0, 0, 1, 0], [], []>, transpose_lhs_hint = false} : vector<4096x512xf32>, vector<256x512xf32>, vector<4096x256xf32> -> vector<4096x256xf32>
    %get3A_102 = arith.constant 0 : index
    %get3A_103 = arith.constant 0 : index
    %get3A_104 = vector.load %arg14[%get3A_102, %get3A_103] : memref<1x256xf32, #tpu.memory_space<vmem>>, vector<1x256xf32>
    %add3A_105 = vector.broadcast %get3A_104 : vector<1x256xf32> to vector<4096x256xf32>
    %add3A_106 = arith.addf %dot_general3A_101, %add3A_105 : vector<4096x256xf32>
    %get3A_107 = arith.constant 0 : index
    %get3A_108 = arith.constant 0 : index
    %get3A_109 = vector.load %arg15[%get3A_107, %get3A_108] : memref<1x256xf32, #tpu.memory_space<vmem>>, vector<1x256xf32>
    %get3A_110 = arith.constant 0 : index
    %get3A_111 = arith.constant 0 : index
    %get3A_112 = vector.load %arg16[%get3A_110, %get3A_111] : memref<1x256xf32, #tpu.memory_space<vmem>>, vector<1x256xf32>
    %max3A_113 = arith.constant 0.000000e+00 : f32
    %max3A_114 = vector.broadcast %max3A_113 : f32 to vector<4096x256xf32>
    %max3A_115 = arith.maximumf %add3A_106, %max3A_114 : vector<4096x256xf32>
    %reduce_sum3A_116 = arith.constant dense<0.000000e+00> : vector<256xf32>
    %reduce_sum3A_117 = vector.multi_reduction <add>, %max3A_115, %reduce_sum3A_116 [0] : vector<4096x256xf32> to vector<256xf32>
    %broadcast_in_dim3A_118 = vector.shape_cast %reduce_sum3A_117 : vector<256xf32> to vector<1x256xf32>
    %div3A_119 = arith.constant 4.096000e+03 : f32
    %div3A_120 = vector.broadcast %div3A_119 : f32 to vector<1x256xf32>
    %div3A_121 = arith.divf %broadcast_in_dim3A_118, %div3A_120 : vector<1x256xf32>
    %sub3A_122 = vector.broadcast %div3A_121 : vector<1x256xf32> to vector<4096x256xf32>
    %sub3A_123 = arith.subf %max3A_115, %sub3A_122 : vector<4096x256xf32>
    %mul3A_124 = arith.mulf %sub3A_123, %sub3A_123 : vector<4096x256xf32>
    %reduce_sum3A_125 = arith.constant dense<0.000000e+00> : vector<256xf32>
    %reduce_sum3A_126 = vector.multi_reduction <add>, %mul3A_124, %reduce_sum3A_125 [0] : vector<4096x256xf32> to vector<256xf32>
    %broadcast_in_dim3A_127 = vector.shape_cast %reduce_sum3A_126 : vector<256xf32> to vector<1x256xf32>
    %div3A_128 = arith.constant 4.096000e+03 : f32
    %div3A_129 = vector.broadcast %div3A_128 : f32 to vector<1x256xf32>
    %div3A_130 = arith.divf %broadcast_in_dim3A_127, %div3A_129 : vector<1x256xf32>
    %add3A_131 = arith.constant 9.99999974E-6 : f32
    %add3A_132 = vector.broadcast %add3A_131 : f32 to vector<1x256xf32>
    %add3A_133 = arith.addf %div3A_130, %add3A_132 : vector<1x256xf32>
    %rsqrt3A_134 = math.rsqrt %add3A_133 : vector<1x256xf32>
    %mul3A_135 = arith.mulf %get3A_109, %rsqrt3A_134 : vector<1x256xf32>
    %mul3A_136 = vector.broadcast %mul3A_135 : vector<1x256xf32> to vector<4096x256xf32>
    %mul3A_137 = arith.mulf %sub3A_123, %mul3A_136 : vector<4096x256xf32>
    %add3A_138 = vector.broadcast %get3A_112 : vector<1x256xf32> to vector<4096x256xf32>
    %add3A_139 = arith.addf %mul3A_137, %add3A_138 : vector<4096x256xf32>
    %get3A_140 = arith.constant 0 : index
    %get3A_141 = arith.constant 0 : index
    %get3A_142 = vector.load %arg17[%get3A_140, %get3A_141] : memref<128x256xf32, #tpu.memory_space<vmem>>, vector<128x256xf32>
    %dot_general3A_143 = arith.constant dense<0.000000e+00> : vector<4096x128xf32>
    %dot_general3A_144 = tpu.matmul %add3A_139, %get3A_142, %dot_general3A_143 {dimension_numbers = #tpu.dot_dimension_numbers<[1], [1], [0], [0], [0, 0, 1, 0], [], []>, transpose_lhs_hint = false} : vector<4096x256xf32>, vector<128x256xf32>, vector<4096x128xf32> -> vector<4096x128xf32>
    %get3A_145 = arith.constant 0 : index
    %get3A_146 = arith.constant 0 : index
    %get3A_147 = vector.load %arg18[%get3A_145, %get3A_146] : memref<1x128xf32, #tpu.memory_space<vmem>>, vector<1x128xf32>
    %add3A_148 = vector.broadcast %get3A_147 : vector<1x128xf32> to vector<4096x128xf32>
    %add3A_149 = arith.addf %dot_general3A_144, %add3A_148 : vector<4096x128xf32>
    %swap3A = arith.constant 0 : index
    %swap3A_150 = arith.constant 0 : index
    %swap3A_151 = vector.load %arg19[%swap3A, %swap3A_150] : memref<4096x128xf32, #tpu.memory_space<vmem>>, vector<4096x128xf32>
    tpu.vector_store %arg19[%swap3A, %swap3A_150], %add3A_149 {strides = array<i32>} : memref<4096x128xf32, #tpu.memory_space<vmem>>, vector<4096x128xf32>,
    return
  }
}

</mosaic_0001>

<sc_bundles>
// kernel: kernel.5.cloned.1.call-start
scs
__scs_entry_jumppad:
0x0: {  	(pc) =	sbr.rel $0x88, $3  }
0x1: {  	(tag) =	ssettag $0x0;
	lr =	simm.s32 $0x1  }
0x2: {  	[smem:$0x3F90] =	sst lr;
	_ =	strace $0xD0000000  }
0x3: {  	_ = 	snop  }
0x4: {  	_ = 	snop  }
0x5: {  	_ = 	snop  }
0x6: {  	_ = 	snop  }
0x7: {  	_ = 	snop  }
__scs_overlays_trampoline_lowered:
0x8: {  	[smem:$0x3F9F] =	sst s0  }
0x9: {  	[smem:$0x3FA0] =	sst s1  }
0xa: {  	[smem:$0x3FA1] =	sst s2  }
0xb: {  	[smem:$0x3FA2] =	sst s3  }
0xc: {  	[smem:$0x3FA3] =	sst s4  }
0xd: {  	[smem:$0x3FA4] =	sst s5  }
0xe: {  	[smem:$0x3FA5] =	sst s6  }
0xf: {  	[smem:$0x3FA6] =	sst s7  }
0x10: {  	[smem:$0x3FA7] =	sst s8  }
0x11: {  	[smem:$0x3FA8] =	sst s9;
	s0 =	simm.s32 @!p0 $0x0  }
0x12: {  	s1 =	sld [smem:$0x3F8E];
	s0 =	simm.s32 @p0 $0x1  }
0x13: {  	[smem:$0x3FA9] =	sst s0;
	s0 =	simm.s32 @!p1 $0x0  }
0x14: {  	s2 =	sld [smem:$0x3F8D];
	s0 =	simm.s32 @p1 $0x1  }
0x15: {  	[smem:$0x3FAA] =	sst s0;
	s0 =	simm.s32 @!p2 $0x0  }
0x16: {  	s3 =	sld [smem:$0x3FDB];
	s0 =	simm.s32 @p2 $0x1  }
0x17: {  	s4 =	simm.s32 $0x1BF5;
	[smem:$0x3FAC] =	sst s0  }
0x18: {  	s0 =	sld [smem:$0x3F8F];
	_ =	swait.ge [sflag:s4], $0x0  }
0x19: {  	s7 =	sld [smem:$0x3F90]  }
0x1a: {  	s8 =	sadd.s32 $0xFFFFE003, lr  }
0x1b: {  	s9 =	sadd.s32 $0xFFFFFEF7, lr;
	s5 =	simm.s32 $0xFFFFFFFF;
	p2 =	slt.u32 s8, $0xFFFFF086  }
0x1c: {  	p1 =	slt.u32 s9, $0xF7A;
	s5 =	simm.s32 @!p2 $0x0  }
0x1d: {  	s5 =	simm.s32 @p1 $0x1;
	p0 =	seq.s32 s7, s2  }
0x1e: {  	s7 =	smul.u32 @!p0 $0xF7A, s2;
	p2 =	seq.s32 @!p0 s5, $0x0  }
0x1f: {  	s9 =	smul.u32 $0xF7A, s1;
	s8 =	simm.s32 @!p0 $0x1BF5;
	p2 =	por !p2, p0  }
0x20: {  	[sflag:s8] =	ssyncset.s32 @!p0 $0xFFFFF086;
	s6 =	sadd.s32 @!p0 s3, s7;
	s7 =	simm.s32 @!p0 $0x108  }
0x21: {  	s3 =	sadd.s32 s3, s9;
	s6 =	sadd.s32 @!p0 $0x88, s6;
	s7 =	simm.s32 @p2 $0x1082  }
0x22: {  	[simem:s7], [sflag:s8] =	dma.local @!p0 [hbm:s6], $0xF7A  }
0x23: {  	s9 =	sor.u32 $0xD0000000, s2;
	s6 =	simm.s32 $0x108;
	_ =	swait.ge @!p0 [sflag:s8], $0x0  }
0x24: {  	s3 =	sadd.s32 $0x88, s3;
	s6 =	simm.s32 @!p1 $0x1082;
	[sflag:s4] =	ssyncset.s32 $0xFFFFF086  }
0x25: {  	[simem:s6], [sflag:s4] =	dma.local [hbm:s3], $0xF7A  }
0x26: {  	[smem:$0x3F90] =	sst s1;
	(tag) =	ssettag s2;
	_ =	strace s9  }
0x27: {  	s1 =	sld [smem:$0x3FA0]  }
0x28: {  	s2 =	sld [smem:$0x3FA1]  }
0x29: {  	s4 =	sld [smem:$0x3FA3]  }
0x2a: {  	p0 =	seq.s32 s5, $0x0;
	s5 =	sld [smem:$0x3FA4]  }
0x2b: {  	s6 =	sld [smem:$0x3FA5]  }
0x2c: {  	s7 =	sld [smem:$0x3FA6]  }
0x2d: {  	s3 =	simm.s32 $0x108;
	s8 =	sld [smem:$0x3FA7]  }
0x2e: {  	s3 =	simm.s32 @!p0 $0x1082;
	s9 =	sld [smem:$0x3FA8]  }
0x2f: {  	lr =	sadd.s32 s0, s3;
	s0 =	sld [smem:$0x3F9F]  }
0x30: {  	s3 =	sld [smem:$0x3FA2]  }
0x31: {  	[smem:$0x3FAB] =	sst s10  }
0x32: {  	s10 =	sld [smem:$0x3FA9];
	_ =	sdelay $0x3  }
0x33: {  	p0 =	seq.s32 s10, $0x1;
	s10 =	sld [smem:$0x3FAB];
	_ =	sdelay $0x3  }
0x34: {  	[smem:$0x3FAB] =	sst s10  }
0x35: {  	s10 =	sld [smem:$0x3FAA];
	_ =	sdelay $0x3  }
0x36: {  	p1 =	seq.s32 s10, $0x1;
	s10 =	sld [smem:$0x3FAB];
	_ =	sdelay $0x3  }
0x37: {  	[smem:$0x3FAB] =	sst s10  }
0x38: {  	s10 =	sld [smem:$0x3FAC]  }
0x39: {  	_ = 	snop;
	(pc) =	sbr.ind lr, $3  }
0x3a: {  	_ = 	snop  }
0x3b: {  	_ = 	snop  }
0x3c: {  	p2 =	seq.s32 s10, $0x1;
	s10 =	sld [smem:$0x3FAB]  }
0x3d: {  	_ =	shalt  }
0x3e: {  	_ =	shalt  }
0x3f: {  	_ =	shalt  }
0x40: {  	_ =	shalt  }
0x41: {  	_ =	shalt  }
0x42: {  	_ =	shalt  }
0x43: {  	_ =	shalt  }
0x44: {  	_ =	shalt  }
0x45: {  	_ =	shalt  }
0x46: {  	_ =	shalt  }
0x47: {  	_ =	shalt  }
0x48: {  	_ =	shalt  }
0x49: {  	_ =	shalt  }
0x4a: {  	_ =	shalt  }
0x4b: {  	_ =	shalt  }
0x4c: {  	_ =	shalt  }
0x4d: {  	_ =	shalt  }
0x4e: {  	_ =	shalt  }
0x4f: {  	_ =	shalt  }
0x50: {  	_ =	shalt  }
0x51: {  	_ =	shalt  }
0x52: {  	_ =	shalt  }
0x53: {  	_ =	shalt  }
0x54: {  	_ =	shalt  }
0x55: {  	_ =	shalt  }
0x56: {  	_ =	shalt  }
0x57: {  	_ =	shalt  }
0x58: {  	_ =	shalt  }
0x59: {  	_ =	shalt  }
0x5a: {  	_ =	shalt  }
0x5b: {  	_ =	shalt  }
0x5c: {  	_ =	shalt  }
0x5d: {  	_ =	shalt  }
0x5e: {  	_ =	shalt  }
0x5f: {  	_ =	shalt  }
0x60: {  	_ =	shalt  }
0x61: {  	_ =	shalt  }
0x62: {  	_ =	shalt  }
0x63: {  	_ =	shalt  }
0x64: {  	_ =	shalt  }
0x65: {  	_ =	shalt  }
0x66: {  	_ =	shalt  }
0x67: {  	_ =	shalt  }
0x68: {  	_ =	shalt  }
0x69: {  	_ =	shalt  }
0x6a: {  	_ =	shalt  }
0x6b: {  	_ =	shalt  }
0x6c: {  	_ =	shalt  }
0x6d: {  	_ =	shalt  }
0x6e: {  	_ =	shalt  }
0x6f: {  	_ =	shalt  }
0x70: {  	_ =	shalt  }
0x71: {  	_ =	shalt  }
0x72: {  	_ =	shalt  }
0x73: {  	_ =	shalt  }
0x74: {  	_ =	shalt  }
0x75: {  	_ =	shalt  }
0x76: {  	_ =	shalt  }
0x77: {  	_ =	shalt  }
0x78: {  	_ =	shalt  }
0x79: {  	_ =	shalt  }
0x7a: {  	_ =	shalt  }
0x7b: {  	_ =	shalt  }
0x7c: {  	_ =	shalt  }
0x7d: {  	_ =	shalt  }
0x7e: {  	_ =	shalt  }
0x7f: {  	_ =	shalt  }
0x80: {  	_ =	shalt  }
0x81: {  	_ =	shalt  }
0x82: {  	_ =	shalt  }
0x83: {  	_ =	shalt  }
0x84: {  	_ =	shalt  }
0x85: {  	_ =	shalt  }
0x86: {  	_ =	shalt  }
0x87: {  	_ =	shalt  }
.Lfunc_end0:
.L_simem_size_0:
called_computation_lowered:
.L_overlay_start_0:
0x88: {  	s2 =	sld [smem:$0x3FD9]  }
0x89: {  	s3 =	sld [smem:$0x3FFE];
	_ =	sdelay $0x1  }
0x8a: {  	s1 =	srdreg.scid  }
0x8b: {  	s0 =	sand.u32 $0x1, s1  }
0x8c: {  	s16 =	sshll.u32 s0, $0xA;
	s2 =	sadd.s32 s3, s2  }
0x8d: {  	s2 =	sadd.s32 s2, s16  }
0x8e: {  	[smem:$0x3FB7] =	sst s2  }
0x8f: {  	_ = 	snop  }
0x90: {  	(tm) =	ssettm $0x1  }
0x91: {  	s17 =	sld [smem:$0x3FFB];
	_ =	sdelay $0x3  }
0x92: {  	_ =	strace s17  }
0x93: {  	s2 =	sld [smem:$0x3FFC];
	_ =	sdelay $0x3  }
0x94: {  	_ =	strace s2  }
0x95: {  	s2 =	sld [smem:$0x3FFD];
	_ =	sdelay $0x3  }
0x96: {  	_ =	strace s2  }
0x97: {  	_ =	strace $0x8FFFFFFF  }
0x98: {  	s18 =	sld [smem:$0x3FDB];
	_ =	sdelay $0x1  }
0x99: {  	s19 =	simm.s32 $_scs_section_size  }
0x9a: {  	s4 =	simm.s32 $_size__tile_overlayer_lowered;
	s5 =	simm.s32 $_tile_overlayer_lowered  }
0x9b: {  	s22 =	simm.s32 $0x1BFF;
	s21 =	sshll.u32 s5, $0x1;
	s2 =	sadd.s32 s19, s18  }
0x9c: {  	s6 =	simm.s32 $0x0;
	s20 =	sshll.u32 s4, $0x1;
	s4 =	sadd.s32 s21, s2  }
0x9d: {  	[timem:s6], [sflag:s22] =	dma.local [hbm:s4], s20  }
0x9e: {  	_ =	swait.ge [sflag:s22], s20  }
0x9f: {  	s3 =	ssub.s32 $0x0, s20;
	[sflag:s22] =	ssyncset.done $0x0  }
0xa0: {  	[sflag:s22] =	ssyncadd.s32 s3;
	_ =	sdelay $0x1  }
0xa1: {  	s23 =	simm.s32 $0x1B8B  }
0xa2: {  	_ =	swait.ge [sflag:s23], $0x1  }
0xa3: {  	[sflag:s23] =	ssyncset.done $0x0  }
0xa4: {  	s25 =	simm.s32 $0x1B8E;
	s24 =	sld [smem:$0x3FFE];
	[sflag:s23] =	ssyncadd.s32 $0xFFFFFFFF  }
0xa5: {  	s26 =	simm.s32 $execute0_lowered;
	[smem:$0x3FD2] =	sst s25  }
0xa6: {  	s4 =	sshll.u32 s26, $0x1;
	_ =	strace $0x80000046;
	[dreg:$0x1] =	wrdreg $0xFFFFFFFF  }
0xa7: {  	s28 =	simm.s32 $_size_execute0_lowered;
	s2 =	sadd.s32 s2, s4;
	[dreg:$0x0] =	wrdreg $0x0  }
0xa8: {  	s4 =	sshll.u32 s28, $0x1;
	[dreg:$0x2] =	wrdreg s2  }
0xa9: {  	[dreg:$0x3] =	wrdreg s4  }
0xaa: {  	[dreg:$0x4] =	wrdreg $0xC0  }
0xab: {  	_ =	task [dreg:s6], $0x5FFFF  }
0xac: {  	[dreg:$0x1] =	wrdreg $0xFFFFFFFF  }
0xad: {  	[dreg:$0x0] =	wrdreg $0x60  }
0xae: {  	[dreg:$0x2] =	wrdreg s24  }
0xaf: {  	[dreg:$0x3] =	wrdreg $0x9  }
0xb0: {  	_ =	task.clear_ibuf [dreg:s6], $0x4FFFF;
	_ =	strace $0x90000046  }
0xb1: {  	s29 =	simm.s32 $0x9;
	_ =	strace $0x80000048  }
0xb2: {  	_ =	swait.ge [sflag:s29], $0x1  }
0xb3: {  	[sflag:s29] =	ssyncadd.s32 $0xFFFFFFFF  }
0xb4: {  	_ =	strace $0x90000048  }
0xb5: {  	_ =	sfence  }
0xb6: {  	s30 =	sld [smem:$0x0];
	_ =	sdelay $0x2  }
0xb7: {  	s31 =	sshll.u32 s1, $0xD;
	s1 =	sshrl.u32 s1, $0x2  }
0xb8: {  	s3 =	sand.u32 $0x4000, s31;
	s1 =	sadd.s32 s1, s30  }
0xb9: {  	s0 =	sor.u32 s3, s0;
	s1 =	sshll.u32 s1, $0x11  }
0xba: {  	s0 =	sor.u32 s1, s0  }
0xbb: {  	s0 =	sadd.s32 $0x8F2B, s0  }
0xbc: {  	[sflag:s0] =	ssyncadd.remote.s32 $0x1  }
0xbd: {  	_ =	sfence.sel $0xFFFF  }
0xbe: {  	[dreg:$0x0] =	wrdreg $0xFFFFFFFF;
	(pc) =	sbr.abs _section_cstart, $3  }
0xbf: {  	[dreg:$0x1] =	wrdreg $0xFFFFFFFF  }
0xc0: {  	_ =	task.clear_ibuf [dreg:s6], $0x2FFFF;
	_ =	strace $0x9FFFFFFF  }
0xc1: {  	(tm) =	ssettm $0x7FFFFFFF  }
tec
execute0_lowered:
.L_overlay_start_1:
0x0: {  	(tag) =	ssettag $0x1  }
0x1: {  	s1 =	srdreg.scid  }
0x2: {  	s0 =	stileid.u32;
	s13 =	rddreg [dreg:$0x0]  }
0x3: {  	s14 =	sand.u32 $0x1, s1;
	s29 =	sshll.u32 s0, $0x9;
	s2 =	sshrl.u32 s0, $0x1  }
0x4: {  	s3 =	sshll.u32 s14, $0x8;
	s4 =	smul.u32 $0x34000, s2;
	s1 =	sand.u32 $0x200, s29  }
0x5: {  	s6 =	simm.s32 $0x400;
	s5 =	simm.s32 $0x3;
	s3 =	sor.u32 s3, s1  }
0x6: {  	s2 =	simm.s32 $0x0;
	s1 =	rddreg [dreg:$0x1];
	s3 =	sor.u32 s4, s3  }
0x7: {  	s10 =	sadd.s32 $0x202800, s13;
	[smem:$0x7FF] =	sst s2;
	s15 =	sshrl.u32 s3, $0x3  }
0x8: {  	_ =	strace $0x80000047;
	s4 =	simm.s32 $0x80;
	s3 =	sadd.s32 s10, s15  }
0x9: {  	[tilespmem:s2], [sflag:$0x3] =	stream.strided.gather [hbm4b:s3+s4], $0x6800, s6, s4, $0x38;
	[tilespmem:$0x1A000] =	vst v63  }
0xa: {  	_ =	swait.ge [sflag:s5], $0x6800  }
0xb: {  	s8 =	simm.s32 $0x6800;
	s9 =	simm.s32 $0xD000;
	[sflag:s5] =	ssyncset.done $0x0  }
0xc: {  	s7 =	sadd.s32 $0x9F0200, s13;
	s16 =	sor.u32 $0x10, s15;
	[sflag:s5] =	ssyncadd.s32 $0xFFFF9800  }
0xd: {  	[tilespmem:s9], [sflag:$0x1] =	stream.indirect.gather [hbm4b:s7+s8], $0x1, s2, s8, $0xb8;
	[tilespmem:$0x1A000] =	vst v63  }
0xe: {  	s10 =	sadd.s32 s10, s16  }
0xf: {  	[tilespmem:s8], [sflag:$0x3] =	stream.strided.gather [hbm4b:s10+s4], $0x6800, s6, s4, $0x38;
	[tilespmem:$0x1A000] =	vst v63  }
0x10: {  	_ =	swait.ge [sflag:s5], $0x6800  }
0x11: {  	[sflag:s5] =	ssyncset.done $0x0  }
0x12: {  	s11 =	simm.s32 $0x13800;
	s12 =	simm.s32 $0x1;
	[sflag:s5] =	ssyncadd.s32 $0xFFFF9800  }
0x13: {  	[tilespmem:s11], [sflag:$0x2] =	stream.indirect.gather [hbm4b:s7+s8], $0x1, s8, s8, $0xb8;
	[tilespmem:$0x1A000] =	vst v63  }
0x14: {  	_ =	swait.ge [sflag:s12], $0x6800  }
0x15: {  	s17 =	sadd.s32 $0x2800, s13;
	[sflag:s12] =	ssyncset.done $0x0  }
0x16: {  	s30 =	ssub.s32 $0x2, s14;
	s13 =	sadd.s32 s17, s15;
	[sflag:s12] =	ssyncadd.s32 $0xFFFF9800  }
0x17: {  	[hbm4b:s13+s4] =	stream.strided.scatter [tilespmem:s9], [sflag:$0x3], $0x6800, s6, s4, $0x38;
	[tilespmem:$0x1A000] =	vst v63  }
0x18: {  	s18 =	sshrl.u32 s30, $0x1;
	_ =	swait.ge [sflag:s5], $0x6800  }
0x19: {  	s18 =	ssub.s32 s30, s18;
	[sflag:s5] =	ssyncset.done $0x0  }
0x1a: {  	s14 =	simm.s32 $0x2;
	s31 =	smax.u32 s18, $0x1;
	[sflag:s5] =	ssyncadd.s32 $0xFFFF9800  }
0x1b: {  	p0 =	sne.s32 s31, $0x1;
	_ =	swait.ge [sflag:s14], $0x6800  }
.Ltmp0:
0x1c: {  	[sflag:s14] =	ssyncset.done $0x0;
	(pc) =	sbr.rel @!p0 .LBB2_2-.Ltmp0, $4  }
0x1d: {  	s15 =	sadd.s32 s17, s16;
	[sflag:s14] =	ssyncadd.s32 $0xFFFF9800  }
0x1e: {  	[hbm4b:s15+s4] =	stream.strided.scatter [tilespmem:s11], [sflag:$0x3], $0x6800, s6, s4, $0x38;
	[tilespmem:$0x1A000] =	vst v63  }
0x1f: {  	_ =	swait.ge [sflag:s5], $0x6800  }
0x20: {  	s16 =	sadd.s32 $0xFFFFFFFF, s31;
	[sflag:s5] =	ssyncset.done $0x0  }
.LBB2_1:
0x21: {  	p0 =	sne.s32 s16, $0x1;
	s16 =	sadd.s32 $0xFFFFFFFF, s16;
	[sflag:s5] =	ssyncadd.s32 $0xFFFF9800  }
0x22: {  	[tilespmem:s2], [sflag:$0x3] =	stream.strided.gather [hbm4b:s3+s4], $0x6800, s6, s4, $0x38;
	[tilespmem:$0x1A000] =	vst v63  }
0x23: {  	_ =	swait.ge [sflag:s5], $0x6800  }
0x24: {  	[sflag:s5] =	ssyncset.done $0x0  }
0x25: {  	[sflag:s5] =	ssyncadd.s32 $0xFFFF9800  }
0x26: {  	[tilespmem:s9], [sflag:$0x1] =	stream.indirect.gather [hbm4b:s7+s8], $0x1, s2, s8, $0xb8;
	[tilespmem:$0x1A000] =	vst v63  }
0x27: {  	_ = 	snop  }
0x28: {  	[tilespmem:s8], [sflag:$0x3] =	stream.strided.gather [hbm4b:s10+s4], $0x6800, s6, s4, $0x38;
	[tilespmem:$0x1A000] =	vst v63  }
0x29: {  	_ =	swait.ge [sflag:s5], $0x6800  }
0x2a: {  	[sflag:s5] =	ssyncset.done $0x0  }
0x2b: {  	[sflag:s5] =	ssyncadd.s32 $0xFFFF9800  }
0x2c: {  	[tilespmem:s11], [sflag:$0x2] =	stream.indirect.gather [hbm4b:s7+s8], $0x1, s8, s8, $0xb8;
	[tilespmem:$0x1A000] =	vst v63  }
0x2d: {  	_ =	swait.ge [sflag:s12], $0x6800  }
0x2e: {  	[sflag:s12] =	ssyncset.done $0x0  }
0x2f: {  	[sflag:s12] =	ssyncadd.s32 $0xFFFF9800  }
0x30: {  	[hbm4b:s13+s4] =	stream.strided.scatter [tilespmem:s9], [sflag:$0x3], $0x6800, s6, s4, $0x38;
	[tilespmem:$0x1A000] =	vst v63  }
0x31: {  	_ =	swait.ge [sflag:s5], $0x6800  }
0x32: {  	[sflag:s5] =	ssyncset.done $0x0  }
0x33: {  	[sflag:s5] =	ssyncadd.s32 $0xFFFF9800  }
0x34: {  	_ =	swait.ge [sflag:s14], $0x6800  }
.Ltmp1:
0x35: {  	[sflag:s14] =	ssyncset.done $0x0;
	(pc) =	sbr.rel @p0 .LBB2_1-.Ltmp1, $4  }
0x36: {  	[sflag:s14] =	ssyncadd.s32 $0xFFFF9800  }
0x37: {  	[hbm4b:s15+s4] =	stream.strided.scatter [tilespmem:s11], [sflag:$0x3], $0x6800, s6, s4, $0x38;
	[tilespmem:$0x1A000] =	vst v63  }
0x38: {  	_ =	swait.ge [sflag:s5], $0x6800  }
0x39: {  	[sflag:s5] =	ssyncset.done $0x0  }
.LBB2_2:
0x3a: {  	[sflag:s5] =	ssyncadd.s32 $0xFFFF9800  }
0x3b: {  	_ =	sfence.sel $0x180000  }
0x3c: {  	[bflag:$0x0] =	sbarrier.arrive $0xFFFF  }
0x3d: {  	p0 =	sne.s32 s0, $0x0;
	_ =	strace $0x90000047  }
0x3e: {  	s0 =	sadd.s32 @!p0 $0x100000, s1;
	[bflag:$0x2] =	sbarrier.arrive $0xFFFF  }
0x3f: {  	[sflag:s0] =	ssyncadd.tile.s32 @!p0 $0x1;
	_ =	shalt  }
.Lfunc_end2:
_tile_overlayer_lowered:
.L_overlay_start_2:
0x40: {  	(tag) =	ssettag $0x2  }
0x41: {  	s0 =	rddreg [dreg:$0x0];
	s2 =	stileid.u32  }
0x42: {  	s1 =	rddreg [dreg:$0x1];
	p0 =	sne.s32 s2, $0x0  }
0x43: {  	s3 =	rddreg [dreg:$0x2];
	[bflag:$0x3] =	sbarrier.arrive $0xFFFF;
	s2 =	simm.s32 @!p0 $0x1C03  }
0x44: {  	[timem:s3], [sflag:s2] =	dma.local @!p0 [hbm:s0], s1  }
0x45: {  	s0 =	simm.s32 @!p0 $0x3  }
0x46: {  	_ =	swait.ge @!p0 [sflag:s0], s1  }
0x47: {  	s1 =	ssub.s32 @!p0 $0x0, s1;
	[sflag:s0] =	ssyncset.done @!p0 $0x0  }
0x48: {  	[sflag:s0] =	ssyncadd.s32 @!p0 s1  }
0x49: {  	[bflag:$0x3] =	sbarrier.arrive $0xFFFF  }
0x4a: {  	_ =	shalt  }

// kernel: kernel.8.cloned.1.call-start
scs
__scs_entry_jumppad:
0x0: {  	(pc) =	sbr.rel $0x88, $3  }
0x1: {  	(tag) =	ssettag $0x0;
	lr =	simm.s32 $0x1  }
0x2: {  	[smem:$0x3F90] =	sst lr;
	_ =	strace $0xD0000000  }
0x3: {  	_ = 	snop  }
0x4: {  	_ = 	snop  }
0x5: {  	_ = 	snop  }
0x6: {  	_ = 	snop  }
0x7: {  	_ = 	snop  }
__scs_overlays_trampoline_lowered:
0x8: {  	[smem:$0x3F9F] =	sst s0  }
0x9: {  	[smem:$0x3FA0] =	sst s1  }
0xa: {  	[smem:$0x3FA1] =	sst s2  }
0xb: {  	[smem:$0x3FA2] =	sst s3  }
0xc: {  	[smem:$0x3FA3] =	sst s4  }
0xd: {  	[smem:$0x3FA4] =	sst s5  }
0xe: {  	[smem:$0x3FA5] =	sst s6  }
0xf: {  	[smem:$0x3FA6] =	sst s7  }
0x10: {  	[smem:$0x3FA7] =	sst s8  }
0x11: {  	[smem:$0x3FA8] =	sst s9;
	s0 =	simm.s32 @!p0 $0x0  }
0x12: {  	s1 =	sld [smem:$0x3F8E];
	s0 =	simm.s32 @p0 $0x1  }
0x13: {  	[smem:$0x3FA9] =	sst s0;
	s0 =	simm.s32 @!p1 $0x0  }
0x14: {  	s2 =	sld [smem:$0x3F8D];
	s0 =	simm.s32 @p1 $0x1  }
0x15: {  	[smem:$0x3FAA] =	sst s0;
	s0 =	simm.s32 @!p2 $0x0  }
0x16: {  	s3 =	sld [smem:$0x3FDB];
	s0 =	simm.s32 @p2 $0x1  }
0x17: {  	s4 =	simm.s32 $0x1BF5;
	[smem:$0x3FAC] =	sst s0  }
0x18: {  	s0 =	sld [smem:$0x3F8F];
	_ =	swait.ge [sflag:s4], $0x0  }
0x19: {  	s7 =	sld [smem:$0x3F90]  }
0x1a: {  	s8 =	sadd.s32 $0xFFFFE003, lr  }
0x1b: {  	s9 =	sadd.s32 $0xFFFFFEF7, lr;
	s5 =	simm.s32 $0xFFFFFFFF;
	p2 =	slt.u32 s8, $0xFFFFF086  }
0x1c: {  	p1 =	slt.u32 s9, $0xF7A;
	s5 =	simm.s32 @!p2 $0x0  }
0x1d: {  	s5 =	simm.s32 @p1 $0x1;
	p0 =	seq.s32 s7, s2  }
0x1e: {  	s7 =	smul.u32 @!p0 $0xF7A, s2;
	p2 =	seq.s32 @!p0 s5, $0x0  }
0x1f: {  	s9 =	smul.u32 $0xF7A, s1;
	s8 =	simm.s32 @!p0 $0x1BF5;
	p2 =	por !p2, p0  }
0x20: {  	[sflag:s8] =	ssyncset.s32 @!p0 $0xFFFFF086;
	s6 =	sadd.s32 @!p0 s3, s7;
	s7 =	simm.s32 @!p0 $0x108  }
0x21: {  	s3 =	sadd.s32 s3, s9;
	s6 =	sadd.s32 @!p0 $0x88, s6;
	s7 =	simm.s32 @p2 $0x1082  }
0x22: {  	[simem:s7], [sflag:s8] =	dma.local @!p0 [hbm:s6], $0xF7A  }
0x23: {  	s9 =	sor.u32 $0xD0000000, s2;
	s6 =	simm.s32 $0x108;
	_ =	swait.ge @!p0 [sflag:s8], $0x0  }
0x24: {  	s3 =	sadd.s32 $0x88, s3;
	s6 =	simm.s32 @!p1 $0x1082;
	[sflag:s4] =	ssyncset.s32 $0xFFFFF086  }
0x25: {  	[simem:s6], [sflag:s4] =	dma.local [hbm:s3], $0xF7A  }
0x26: {  	[smem:$0x3F90] =	sst s1;
	(tag) =	ssettag s2;
	_ =	strace s9  }
0x27: {  	s1 =	sld [smem:$0x3FA0]  }
0x28: {  	s2 =	sld [smem:$0x3FA1]  }
0x29: {  	s4 =	sld [smem:$0x3FA3]  }
0x2a: {  	p0 =	seq.s32 s5, $0x0;
	s5 =	sld [smem:$0x3FA4]  }
0x2b: {  	s6 =	sld [smem:$0x3FA5]  }
0x2c: {  	s7 =	sld [smem:$0x3FA6]  }
0x2d: {  	s3 =	simm.s32 $0x108;
	s8 =	sld [smem:$0x3FA7]  }
0x2e: {  	s3 =	simm.s32 @!p0 $0x1082;
	s9 =	sld [smem:$0x3FA8]  }
0x2f: {  	lr =	sadd.s32 s0, s3;
	s0 =	sld [smem:$0x3F9F]  }
0x30: {  	s3 =	sld [smem:$0x3FA2]  }
0x31: {  	[smem:$0x3FAB] =	sst s10  }
0x32: {  	s10 =	sld [smem:$0x3FA9];
	_ =	sdelay $0x3  }
0x33: {  	p0 =	seq.s32 s10, $0x1;
	s10 =	sld [smem:$0x3FAB];
	_ =	sdelay $0x3  }
0x34: {  	[smem:$0x3FAB] =	sst s10  }
0x35: {  	s10 =	sld [smem:$0x3FAA];
	_ =	sdelay $0x3  }
0x36: {  	p1 =	seq.s32 s10, $0x1;
	s10 =	sld [smem:$0x3FAB];
	_ =	sdelay $0x3  }
0x37: {  	[smem:$0x3FAB] =	sst s10  }
0x38: {  	s10 =	sld [smem:$0x3FAC]  }
0x39: {  	_ = 	snop;
	(pc) =	sbr.ind lr, $3  }
0x3a: {  	_ = 	snop  }
0x3b: {  	_ = 	snop  }
0x3c: {  	p2 =	seq.s32 s10, $0x1;
	s10 =	sld [smem:$0x3FAB]  }
0x3d: {  	_ =	shalt  }
0x3e: {  	_ =	shalt  }
0x3f: {  	_ =	shalt  }
0x40: {  	_ =	shalt  }
0x41: {  	_ =	shalt  }
0x42: {  	_ =	shalt  }
0x43: {  	_ =	shalt  }
0x44: {  	_ =	shalt  }
0x45: {  	_ =	shalt  }
0x46: {  	_ =	shalt  }
0x47: {  	_ =	shalt  }
0x48: {  	_ =	shalt  }
0x49: {  	_ =	shalt  }
0x4a: {  	_ =	shalt  }
0x4b: {  	_ =	shalt  }
0x4c: {  	_ =	shalt  }
0x4d: {  	_ =	shalt  }
0x4e: {  	_ =	shalt  }
0x4f: {  	_ =	shalt  }
0x50: {  	_ =	shalt  }
0x51: {  	_ =	shalt  }
0x52: {  	_ =	shalt  }
0x53: {  	_ =	shalt  }
0x54: {  	_ =	shalt  }
0x55: {  	_ =	shalt  }
0x56: {  	_ =	shalt  }
0x57: {  	_ =	shalt  }
0x58: {  	_ =	shalt  }
0x59: {  	_ =	shalt  }
0x5a: {  	_ =	shalt  }
0x5b: {  	_ =	shalt  }
0x5c: {  	_ =	shalt  }
0x5d: {  	_ =	shalt  }
0x5e: {  	_ =	shalt  }
0x5f: {  	_ =	shalt  }
0x60: {  	_ =	shalt  }
0x61: {  	_ =	shalt  }
0x62: {  	_ =	shalt  }
0x63: {  	_ =	shalt  }
0x64: {  	_ =	shalt  }
0x65: {  	_ =	shalt  }
0x66: {  	_ =	shalt  }
0x67: {  	_ =	shalt  }
0x68: {  	_ =	shalt  }
0x69: {  	_ =	shalt  }
0x6a: {  	_ =	shalt  }
0x6b: {  	_ =	shalt  }
0x6c: {  	_ =	shalt  }
0x6d: {  	_ =	shalt  }
0x6e: {  	_ =	shalt  }
0x6f: {  	_ =	shalt  }
0x70: {  	_ =	shalt  }
0x71: {  	_ =	shalt  }
0x72: {  	_ =	shalt  }
0x73: {  	_ =	shalt  }
0x74: {  	_ =	shalt  }
0x75: {  	_ =	shalt  }
0x76: {  	_ =	shalt  }
0x77: {  	_ =	shalt  }
0x78: {  	_ =	shalt  }
0x79: {  	_ =	shalt  }
0x7a: {  	_ =	shalt  }
0x7b: {  	_ =	shalt  }
0x7c: {  	_ =	shalt  }
0x7d: {  	_ =	shalt  }
0x7e: {  	_ =	shalt  }
0x7f: {  	_ =	shalt  }
0x80: {  	_ =	shalt  }
0x81: {  	_ =	shalt  }
0x82: {  	_ =	shalt  }
0x83: {  	_ =	shalt  }
0x84: {  	_ =	shalt  }
0x85: {  	_ =	shalt  }
0x86: {  	_ =	shalt  }
0x87: {  	_ =	shalt  }
.Lfunc_end0:
.L_simem_size_0:
called_computation.1_lowered:
.L_overlay_start_0:
0x88: {  	s2 =	sld [smem:$0x3FD9]  }
0x89: {  	s3 =	sld [smem:$0x3FFE];
	_ =	sdelay $0x1  }
0x8a: {  	s1 =	srdreg.scid  }
0x8b: {  	s0 =	sand.u32 $0x1, s1  }
0x8c: {  	s17 =	sshll.u32 s0, $0xA;
	s2 =	sadd.s32 s3, s2  }
0x8d: {  	s2 =	sadd.s32 s2, s17  }
0x8e: {  	[smem:$0x3FB7] =	sst s2  }
0x8f: {  	_ = 	snop  }
0x90: {  	(tm) =	ssettm $0x1  }
0x91: {  	s18 =	sld [smem:$0x3FFB];
	_ =	sdelay $0x3  }
0x92: {  	_ =	strace s18  }
0x93: {  	s2 =	sld [smem:$0x3FFC];
	_ =	sdelay $0x3  }
0x94: {  	_ =	strace s2  }
0x95: {  	s2 =	sld [smem:$0x3FFD];
	_ =	sdelay $0x3  }
0x96: {  	_ =	strace s2  }
0x97: {  	_ =	strace $0x8FFFFFFF  }
0x98: {  	s19 =	sld [smem:$0x3FDB];
	_ =	sdelay $0x1  }
0x99: {  	s20 =	simm.s32 $_scs_section_size  }
0x9a: {  	s4 =	simm.s32 $_size__tile_overlayer_lowered;
	s5 =	simm.s32 $_tile_overlayer_lowered  }
0x9b: {  	s6 =	simm.s32 $0x1BFF;
	s21 =	sshll.u32 s5, $0x1;
	s3 =	sadd.s32 s20, s19  }
0x9c: {  	s22 =	simm.s32 $0x0;
	s4 =	sshll.u32 s4, $0x1;
	s5 =	sadd.s32 s21, s3  }
0x9d: {  	[timem:s22], [sflag:s6] =	dma.local [hbm:s5], s4  }
0x9e: {  	_ =	swait.ge [sflag:s6], s4  }
0x9f: {  	s4 =	ssub.s32 $0x0, s4;
	[sflag:s6] =	ssyncset.done $0x0  }
0xa0: {  	[sflag:s6] =	ssyncadd.s32 s4;
	_ =	sdelay $0x1  }
0xa1: {  	s23 =	simm.s32 $0x1B8B  }
0xa2: {  	_ =	swait.ge [sflag:s23], $0x1  }
0xa3: {  	[sflag:s23] =	ssyncset.done $0x0  }
0xa4: {  	[sflag:s23] =	ssyncadd.s32 $0xFFFFFFFF  }
0xa5: {  	s4 =	sld [smem:$0x0]  }
0xa6: {  	s5 =	sand.u32 $0xFFFFFFFE, s1  }
0xa7: {  	p0 =	sne.s32 s1, s5  }
0xa8: {  	s5 =	sshll.u32 @p0 s5, $0xE  }
0xa9: {  	s5 =	sadd.s32 @p0 $0x11B8D, s5;
	s6 =	sshll.u32 @p0 s4, $0x11  }
0xaa: {  	s5 =	sor.u32 @p0 s6, s5  }
0xab: {  	[sflag:s5] =	ssyncadd.remote.s32 @p0 $0x1;
	_ =	sdelay $0x1  }
0xac: {  	s5 =	simm.s32 @p0 $0x1B8D  }
0xad: {  	_ =	swait.eq @p0 [sflag:s5], $0x1  }
0xae: {  	[sflag:s5] =	ssyncadd.s32 @p0 $0xFFFFFFFF  }
0xaf: {  	s6 =	sshll.u32 @!p0 s1, $0xE  }
0xb0: {  	s6 =	sor.u32 @!p0 $0x4000, s6;
	s5 =	simm.s32 @!p0 $0x1B8D  }
0xb1: {  	s4 =	sshll.u32 @!p0 s4, $0x11;
	s6 =	sadd.s32 @!p0 $0x11B8D, s6;
	_ =	swait.eq @!p0 [sflag:s5], $0x1  }
0xb2: {  	s4 =	sor.u32 @!p0 s4, s6;
	[sflag:s5] =	ssyncadd.s32 @!p0 $0xFFFFFFFF  }
0xb3: {  	s25 =	simm.s32 $0x1B8E;
	s24 =	sld [smem:$0x3FFE];
	[sflag:s4] =	ssyncadd.remote.s32 @!p0 $0x1  }
0xb4: {  	s26 =	simm.s32 $execute0_lowered;
	[smem:$0x3FD2] =	sst s25  }
0xb5: {  	s5 =	sshll.u32 s26, $0x1;
	_ =	strace $0x80000049;
	[dreg:$0x1] =	wrdreg $0xFFFFFFFF  }
0xb6: {  	s28 =	simm.s32 $_size_execute0_lowered;
	s3 =	sadd.s32 s3, s5;
	[dreg:$0x0] =	wrdreg $0x0  }
0xb7: {  	s5 =	sshll.u32 s28, $0x1;
	[dreg:$0x2] =	wrdreg s3  }
0xb8: {  	[dreg:$0x3] =	wrdreg s5  }
0xb9: {  	[dreg:$0x4] =	wrdreg $0xC0  }
0xba: {  	_ =	task [dreg:s22], $0x5FFFF  }
0xbb: {  	[dreg:$0x1] =	wrdreg $0xFFFFFFFF  }
0xbc: {  	[dreg:$0x0] =	wrdreg $0x60  }
0xbd: {  	[dreg:$0x2] =	wrdreg s24  }
0xbe: {  	[dreg:$0x3] =	wrdreg $0xA  }
0xbf: {  	_ =	task.clear_ibuf [dreg:s22], $0x4FFFF;
	_ =	strace $0x90000049  }
0xc0: {  	s29 =	simm.s32 $0xA;
	_ =	strace $0x8000004B  }
0xc1: {  	_ =	swait.ge [sflag:s29], $0x1  }
0xc2: {  	[sflag:s29] =	ssyncadd.s32 $0xFFFFFFFF  }
0xc3: {  	_ =	strace $0x9000004B  }
0xc4: {  	_ =	sfence  }
0xc5: {  	s30 =	sld [smem:$0x0];
	_ =	sdelay $0x2  }
0xc6: {  	s31 =	sshll.u32 s1, $0xD;
	s1 =	sshrl.u32 s1, $0x2  }
0xc7: {  	s4 =	sand.u32 $0x4000, s31;
	s1 =	sadd.s32 s1, s30  }
0xc8: {  	s0 =	sor.u32 s4, s0;
	s1 =	sshll.u32 s1, $0x11  }
0xc9: {  	s0 =	sor.u32 s1, s0  }
0xca: {  	s0 =	sadd.s32 $0x8F2B, s0  }
0xcb: {  	[sflag:s0] =	ssyncadd.remote.s32 $0x1  }
0xcc: {  	_ =	sfence.sel $0xFFFF  }
0xcd: {  	[dreg:$0x0] =	wrdreg $0xFFFFFFFF;
	(pc) =	sbr.abs _section_cstart, $3  }
0xce: {  	[dreg:$0x1] =	wrdreg $0xFFFFFFFF  }
0xcf: {  	_ =	task.clear_ibuf [dreg:s22], $0x2FFFF;
	_ =	strace $0x9FFFFFFF  }
0xd0: {  	(tm) =	ssettm $0x7FFFFFFF  }
0xd1: {  	_ =	shalt  }
tec
execute0_lowered:
.L_overlay_start_1:
0x0: {  	(tag) =	ssettag $0x1  }
0x1: {  	s1 =	srdreg.scid  }
0x2: {  	s0 =	stileid.u32;
	s13 =	rddreg [dreg:$0x0]  }
0x3: {  	s14 =	sand.u32 $0x1, s1;
	s29 =	sshll.u32 s0, $0x9;
	s2 =	sshrl.u32 s0, $0x1  }
0x4: {  	s3 =	sshll.u32 s14, $0x8;
	s4 =	smul.u32 $0x34000, s2;
	s1 =	sand.u32 $0x200, s29  }
0x5: {  	s6 =	simm.s32 $0x400;
	s5 =	simm.s32 $0x3;
	s3 =	sor.u32 s3, s1  }
0x6: {  	s2 =	simm.s32 $0x0;
	s1 =	rddreg [dreg:$0x1];
	s3 =	sor.u32 s4, s3  }
0x7: {  	s10 =	sadd.s32 $0x36800, s13;
	[smem:$0x7FF] =	sst s2;
	s15 =	sshrl.u32 s3, $0x3  }
0x8: {  	_ =	strace $0x8000004A;
	s4 =	simm.s32 $0x80;
	s3 =	sadd.s32 s10, s15  }
0x9: {  	[tilespmem:s2], [sflag:$0x3] =	stream.strided.gather [hbm4b:s3+s4], $0x6800, s6, s4, $0x38;
	[tilespmem:$0x1A000] =	vst v63  }
0xa: {  	_ =	swait.ge [sflag:s5], $0x6800  }
0xb: {  	s8 =	simm.s32 $0x6800;
	s9 =	simm.s32 $0xD000;
	[sflag:s5] =	ssyncset.done $0x0  }
0xc: {  	s7 =	sadd.s32 $0xEE5C00, s13;
	s16 =	sor.u32 $0x10, s15;
	[sflag:s5] =	ssyncadd.s32 $0xFFFF9800  }
0xd: {  	[tilespmem:s9], [sflag:$0x1] =	stream.indirect.gather [hbm4b:s7+s8], $0x1, s2, s8, $0xb8;
	[tilespmem:$0x1A000] =	vst v63  }
0xe: {  	s10 =	sadd.s32 s10, s16  }
0xf: {  	[tilespmem:s8], [sflag:$0x3] =	stream.strided.gather [hbm4b:s10+s4], $0x6800, s6, s4, $0x38;
	[tilespmem:$0x1A000] =	vst v63  }
0x10: {  	_ =	swait.ge [sflag:s5], $0x6800  }
0x11: {  	[sflag:s5] =	ssyncset.done $0x0  }
0x12: {  	s11 =	simm.s32 $0x13800;
	s12 =	simm.s32 $0x1;
	[sflag:s5] =	ssyncadd.s32 $0xFFFF9800  }
0x13: {  	[tilespmem:s11], [sflag:$0x2] =	stream.indirect.gather [hbm4b:s7+s8], $0x1, s8, s8, $0xb8;
	[tilespmem:$0x1A000] =	vst v63  }
0x14: {  	_ =	swait.ge [sflag:s12], $0x6800  }
0x15: {  	s17 =	sadd.s32 $0x6A800, s13;
	[sflag:s12] =	ssyncset.done $0x0  }
0x16: {  	s30 =	ssub.s32 $0x2, s14;
	s13 =	sadd.s32 s17, s15;
	[sflag:s12] =	ssyncadd.s32 $0xFFFF9800  }
0x17: {  	[hbm4b:s13+s4] =	stream.strided.scatter [tilespmem:s9], [sflag:$0x3], $0x6800, s6, s4, $0x38;
	[tilespmem:$0x1A000] =	vst v63  }
0x18: {  	s18 =	sshrl.u32 s30, $0x1;
	_ =	swait.ge [sflag:s5], $0x6800  }
0x19: {  	s18 =	ssub.s32 s30, s18;
	[sflag:s5] =	ssyncset.done $0x0  }
0x1a: {  	s14 =	simm.s32 $0x2;
	s31 =	smax.u32 s18, $0x1;
	[sflag:s5] =	ssyncadd.s32 $0xFFFF9800  }
0x1b: {  	p0 =	sne.s32 s31, $0x1;
	_ =	swait.ge [sflag:s14], $0x6800  }
.Ltmp0:
0x1c: {  	[sflag:s14] =	ssyncset.done $0x0;
	(pc) =	sbr.rel @!p0 .LBB2_2-.Ltmp0, $4  }
0x1d: {  	s15 =	sadd.s32 s17, s16;
	[sflag:s14] =	ssyncadd.s32 $0xFFFF9800  }
0x1e: {  	[hbm4b:s15+s4] =	stream.strided.scatter [tilespmem:s11], [sflag:$0x3], $0x6800, s6, s4, $0x38;
	[tilespmem:$0x1A000] =	vst v63  }
0x1f: {  	_ =	swait.ge [sflag:s5], $0x6800  }
0x20: {  	s16 =	sadd.s32 $0xFFFFFFFF, s31;
	[sflag:s5] =	ssyncset.done $0x0  }
.LBB2_1:
0x21: {  	p0 =	sne.s32 s16, $0x1;
	s16 =	sadd.s32 $0xFFFFFFFF, s16;
	[sflag:s5] =	ssyncadd.s32 $0xFFFF9800  }
0x22: {  	[tilespmem:s2], [sflag:$0x3] =	stream.strided.gather [hbm4b:s3+s4], $0x6800, s6, s4, $0x38;
	[tilespmem:$0x1A000] =	vst v63  }
0x23: {  	_ =	swait.ge [sflag:s5], $0x6800  }
0x24: {  	[sflag:s5] =	ssyncset.done $0x0  }
0x25: {  	[sflag:s5] =	ssyncadd.s32 $0xFFFF9800  }
0x26: {  	[tilespmem:s9], [sflag:$0x1] =	stream.indirect.gather [hbm4b:s7+s8], $0x1, s2, s8, $0xb8;
	[tilespmem:$0x1A000] =	vst v63  }
0x27: {  	_ = 	snop  }
0x28: {  	[tilespmem:s8], [sflag:$0x3] =	stream.strided.gather [hbm4b:s10+s4], $0x6800, s6, s4, $0x38;
	[tilespmem:$0x1A000] =	vst v63  }
0x29: {  	_ =	swait.ge [sflag:s5], $0x6800  }
0x2a: {  	[sflag:s5] =	ssyncset.done $0x0  }
0x2b: {  	[sflag:s5] =	ssyncadd.s32 $0xFFFF9800  }
0x2c: {  	[tilespmem:s11], [sflag:$0x2] =	stream.indirect.gather [hbm4b:s7+s8], $0x1, s8, s8, $0xb8;
	[tilespmem:$0x1A000] =	vst v63  }
0x2d: {  	_ =	swait.ge [sflag:s12], $0x6800  }
0x2e: {  	[sflag:s12] =	ssyncset.done $0x0  }
0x2f: {  	[sflag:s12] =	ssyncadd.s32 $0xFFFF9800  }
0x30: {  	[hbm4b:s13+s4] =	stream.strided.scatter [tilespmem:s9], [sflag:$0x3], $0x6800, s6, s4, $0x38;
	[tilespmem:$0x1A000] =	vst v63  }
0x31: {  	_ =	swait.ge [sflag:s5], $0x6800  }
0x32: {  	[sflag:s5] =	ssyncset.done $0x0  }
0x33: {  	[sflag:s5] =	ssyncadd.s32 $0xFFFF9800  }
0x34: {  	_ =	swait.ge [sflag:s14], $0x6800  }
.Ltmp1:
0x35: {  	[sflag:s14] =	ssyncset.done $0x0;
	(pc) =	sbr.rel @p0 .LBB2_1-.Ltmp1, $4  }
0x36: {  	[sflag:s14] =	ssyncadd.s32 $0xFFFF9800  }
0x37: {  	[hbm4b:s15+s4] =	stream.strided.scatter [tilespmem:s11], [sflag:$0x3], $0x6800, s6, s4, $0x38;
	[tilespmem:$0x1A000] =	vst v63  }
0x38: {  	_ =	swait.ge [sflag:s5], $0x6800  }
0x39: {  	[sflag:s5] =	ssyncset.done $0x0  }
.LBB2_2:
0x3a: {  	[sflag:s5] =	ssyncadd.s32 $0xFFFF9800  }
0x3b: {  	_ =	sfence.sel $0x180000  }
0x3c: {  	[bflag:$0x0] =	sbarrier.arrive $0xFFFF  }
0x3d: {  	p0 =	sne.s32 s0, $0x0;
	_ =	strace $0x9000004A  }
0x3e: {  	s0 =	sadd.s32 @!p0 $0x100000, s1;
	[bflag:$0x2] =	sbarrier.arrive $0xFFFF  }
0x3f: {  	[sflag:s0] =	ssyncadd.tile.s32 @!p0 $0x1;
	_ =	shalt  }
.Lfunc_end2:
_tile_overlayer_lowered:
.L_overlay_start_2:
0x40: {  	(tag) =	ssettag $0x2  }
0x41: {  	s0 =	rddreg [dreg:$0x0];
	s2 =	stileid.u32  }
0x42: {  	s1 =	rddreg [dreg:$0x1];
	p0 =	sne.s32 s2, $0x0  }
0x43: {  	s3 =	rddreg [dreg:$0x2];
	[bflag:$0x3] =	sbarrier.arrive $0xFFFF;
	s2 =	simm.s32 @!p0 $0x1C03  }
0x44: {  	[timem:s3], [sflag:s2] =	dma.local @!p0 [hbm:s0], s1  }
0x45: {  	s0 =	simm.s32 @!p0 $0x3  }
0x46: {  	_ =	swait.ge @!p0 [sflag:s0], s1  }
0x47: {  	s1 =	ssub.s32 @!p0 $0x0, s1;
	[sflag:s0] =	ssyncset.done @!p0 $0x0  }
0x48: {  	[sflag:s0] =	ssyncadd.s32 @!p0 s1  }
0x49: {  	[bflag:$0x3] =	sbarrier.arrive $0xFFFF  }
0x4a: {  	_ =	shalt  }

</sc_bundles>
